<compile_context>
chip_gen: v7x
topology: tpu7x:2x2x1
jax: 0.10.2.dev20260603
libtpu: 0.0.44.dev20260713+nightly
codegen_flags: <defaults>
</compile_context>

<pallas_src>
import functools

import jax
import jax.numpy as jnp
from jax import lax
from jax.experimental import pallas as pl
from jax.experimental.pallas import tpu as pltpu
from jax.experimental.pallas import tpu_sc as plsc

N_CLASSES = 5
K = 32 * N_CLASSES
D = 192
HW = 384 * 384
B = 2
PB = 3072
NB = HW // PB
IGNORE_LB = 255


def _i0():
    return jnp.int32(0)


NW = 32
CH = B * HW // NW


def _sc_hist_body(lab_hbm, idx_hbm, out_hbm, lab_v, idx_v, acc_v):
    wid = lax.axis_index("s") * jnp.int32(2) + lax.axis_index("c")
    base = wid * jnp.int32(CH)
    pltpu.sync_copy(lab_hbm.at[pl.ds(base, CH)], lab_v)
    pltpu.sync_copy(idx_hbm.at[pl.ds(base, CH)], idx_v)
    zeros16 = jnp.zeros((16,), jnp.float32)
    for t in range(K // 16):
        acc_v[pl.ds(t * 16, 16)] = zeros16
    ones16 = jnp.ones((16,), jnp.float32)

    def body(i, carry):
        off = i * jnp.int32(16)
        l16 = lab_v[pl.ds(off, 16)]
        i16 = idx_v[pl.ds(off, 16)]
        k2 = jnp.where(l16 == jnp.int32(IGNORE_LB),
                       jnp.int32(0), l16 * jnp.int32(32) + i16)
        plsc.addupdate_scatter(acc_v, [k2], ones16)
        return carry

    lax.fori_loop(jnp.int32(0), jnp.int32(CH // 16), body, jnp.int32(0))
    pltpu.sync_copy(acc_v, out_hbm.at[wid])


@functools.partial(
    pl.kernel,
    mesh=plsc.VectorSubcoreMesh(core_axis_name="c", subcore_axis_name="s"),
    out_type=jax.ShapeDtypeStruct((NW, K), jnp.float32),
    scratch_types=[
        pltpu.VMEM((CH,), jnp.int32),
        pltpu.VMEM((CH,), jnp.int32),
        pltpu.VMEM((K,), jnp.float32),
    ],
    compiler_params=pltpu.CompilerParams(needs_layout_passes=False),
)
def _sc_hist(lab_hbm, idx_hbm, out_hbm, lab_v, idx_v, acc_v):
    _sc_hist_body(lab_hbm, idx_hbm, out_hbm, lab_v, idx_v, acc_v)


def _segsum_body(lab_ref, idx_ref, feat_ref, sums_ref):
    j = pl.program_id(1)

    @pl.when(j == 0)
    def _init():
        sums_ref[...] = jnp.zeros_like(sums_ref)

    lab = lab_ref[0].reshape(1, PB)
    idx = idx_ref[0].reshape(1, PB)
    k2 = jnp.where(lab == IGNORE_LB, 0, lab * 32 + idx)
    rows = lax.broadcasted_iota(jnp.int32, (K, PB), 0)
    oh_t = (rows == jnp.broadcast_to(k2, (K, PB))).astype(jnp.float32)
    feat = feat_ref[0].reshape(D, PB)
    dn = (((1,), (1,)), ((), ()))
    acc = lax.dot_general(feat, oh_t, dn, preferred_element_type=jnp.float32)
    sums_ref[...] += acc[None]


def _finalize_body(sums_ref, counts_ref, out_ref):
    f32 = jnp.float32
    KK = (K, K)
    row = lax.broadcasted_iota(jnp.int32, KK, 0)
    col = lax.broadcasted_iota(jnp.int32, KK, 1)
    eye = row == col
    ks = lax.broadcasted_iota(jnp.int32, (1, K), 1)

    def _col(x, zero):
        return jnp.sum(jnp.where(eye, jnp.broadcast_to(x, KK), zero),
                       axis=1, keepdims=True, dtype=x.dtype)

    total = f32(0.0)
    n_valid = f32(0.0)

    for b in range(B):
        c2 = jnp.sum(counts_ref[b], axis=0, keepdims=True)
        s2 = sums_ref[b]
        mx = jnp.max(jnp.where(c2 > 0, jnp.bitwise_and(ks, 31), 0))
        mx_safe = jnp.maximum(mx, 1)
        keyed = mx * jnp.right_shift(row, 5) + jnp.bitwise_and(row, 31)
        remap = (keyed == col).astype(f32)
        counts = jnp.dot(c2, remap, preferred_element_type=f32)
        sums = jnp.dot(s2, remap, preferred_element_type=f32)
        means = sums / jnp.maximum(counts, 1.0)

        present = counts > 0
        n_present = jnp.sum(present.astype(f32))

        P = jnp.zeros(KK, f32)
        for db in range(D // 8):
            md = means[db * 8:(db + 1) * 8, :]
            diff = jnp.abs(md[:, :, None] - md[:, None, :])
            P = P + jnp.sum(diff, axis=0)
        P = P * f32(1.0 / D)

        pk = jnp.where(present, ks, -1)
        k_last = jnp.max(pk)
        k_prev = jnp.max(jnp.where(ks == k_last, -1, pk))
        mxf = mx_safe.astype(f32)
        cls_f = jnp.floor((ks.astype(f32) - 1.0) / mxf)
        eff = jnp.where(ks == k_last,
                        jnp.floor((k_prev.astype(f32) - 1.0) / mxf),
                        cls_f)
        included = present & (counts >= 2.0) & (ks >= 1)
        incval = jnp.where(included, ks, -1)
        inc_col = _col(incval, 0)
        strict = row < col
        prev_idx = jnp.max(jnp.where(strict, jnp.broadcast_to(inc_col, KK), -1),
                           axis=0, keepdims=True)
        pidx = jnp.maximum(prev_idx, 0)
        eff_col = _col(eff, f32(0.0))
        gmat = row == jnp.broadcast_to(pidx, KK)
        prev_cls = jnp.sum(jnp.where(gmat, jnp.broadcast_to(eff_col, KK), 0.0),
                           axis=0, keepdims=True)
        prev_cls = jnp.where(prev_idx < 0, f32(-1e9), prev_cls)
        new_group = included & (eff != prev_cls)
        ng_col = _col(new_group.astype(f32), f32(0.0))
        lower = row <= col
        cums = jnp.sum(jnp.where(lower, jnp.broadcast_to(ng_col, KK), 0.0),
                       axis=0, keepdims=True)
        gid = jnp.where(included, cums - 1.0, f32(-1.0))
        memb = (row.astype(f32) == jnp.broadcast_to(gid, KK)).astype(f32)
        sizes = jnp.sum(memb, axis=1, keepdims=True)
        mp = jnp.dot(memb, P, preferred_element_type=f32)
        num = jnp.sum(mp * memb, axis=1, keepdims=True)
        ret = num / (jnp.maximum(sizes, 1.0) ** 2)
        ret = jnp.where(ret < 1.0, 0.5 * ret * ret, ret - 0.5)
        validg = (sizes > 0.0) & (n_present > 1.0)
        total = total + jnp.sum(jnp.where(validg, ret, 0.0))
        n_valid = n_valid + jnp.sum(validg.astype(f32))

    loss = jnp.where(n_valid > 0.0, total / jnp.maximum(n_valid, 1.0), 0.0)
    out_ref[...] = jnp.broadcast_to(loss * f32(1.0 / B), (1, 1))


def kernel(feature_out, labels, indexes):
    lab = labels.astype(jnp.int32)
    idx = indexes.astype(jnp.int32)
    counts = _sc_hist(lab.reshape(B * HW), idx.reshape(B * HW))
    counts = counts.reshape(B, NW // B, K)
    sums = pl.pallas_call(
        _segsum_body,
        grid=(B, NB),
        in_specs=[
            pl.BlockSpec((1, 8, 384), lambda b, j: (b, j, _i0())),
            pl.BlockSpec((1, 8, 384), lambda b, j: (b, j, _i0())),
            pl.BlockSpec((1, D, 8, 384), lambda b, j: (b, _i0(), j, _i0())),
        ],
        out_specs=pl.BlockSpec((1, D, K), lambda b, j: (b, _i0(), _i0())),
        out_shape=jax.ShapeDtypeStruct((B, D, K), jnp.float32),
        compiler_params=pltpu.CompilerParams(
            dimension_semantics=("arbitrary", "arbitrary")),
    )(lab, idx, feature_out)
    loss = pl.pallas_call(
        _finalize_body,
        out_shape=jax.ShapeDtypeStruct((1, 1), jnp.float32),
    )(sums, counts)
    return loss.reshape(1)

# --- scband reference (transcript-rebuilt; emitter-appended) ---
"""Pipeline reference for scband-lintra-89000312307761 (READ-ONLY COPY).

The authoritative reference and input builder live on the scoring server;
editing this copy changes nothing except your own understanding.
"""

import jax, jax.numpy as jnp
import numpy as np
import math

jax.config.update('jax_enable_x64', True)

N_CLASSES = 5
IGNORE_LB = 255
OMIT_LIST = []


def setup_inputs(seed: int = 0) -> dict:
    key = jax.random.key(seed)
    k1, k2, k3 = jax.random.split(key, 3)
    feature_out = jax.random.normal(k1, (2, 192, 384, 384), dtype=jnp.float32)
    labels = jax.random.randint(k2, (2, 384, 384), 0, 5).astype(jnp.int64)
    indexes = jax.random.randint(k3, (2, 384, 384), 0, 32).astype(jnp.int64)
    return {"feature_out": feature_out, "labels": labels, "indexes": indexes}


def _lintra_forward(feature_out, labels, indexes):
    # feature_out: [B, D, H, W] (traced float); labels/indexes: traced ints
    fo = jnp.transpose(feature_out, (0, 2, 3, 1))  # B, H, W, D
    B = fo.shape[0]
    D = fo.shape[3]
    K = 32 * N_CLASSES  # static bound on key values: mx*label + index < 32*N_CLASSES
    total = jnp.zeros((), dtype=jnp.float32)
    count = jnp.zeros((), dtype=jnp.int64)
    for n in range(B):
        label_single = labels[n].reshape(-1)
        index_single = indexes[n].reshape(-1)
        mx = jnp.max(indexes[n])
        feat_single = fo[n].reshape(-1, D)
        index_single = jnp.where(label_single == IGNORE_LB, 0, index_single)
        label_single = jnp.where(label_single == IGNORE_LB, 0, label_single)
        key_new = mx * label_single + index_single
        indicies = jnp.argsort(key_new)
        skey = key_new[indicies]
        counts = jax.ops.segment_sum(jnp.ones_like(skey), skey,
                                     num_segments=K, indices_are_sorted=True)
        sums = jax.ops.segment_sum(feat_single[indicies], skey,
                                   num_segments=K, indices_are_sorted=True)
        means = sums / jnp.maximum(counts, 1).astype(sums.dtype)[:, None]
        ks = jnp.arange(K, dtype=skey.dtype)
        present = counts > 0
        n_present = jnp.sum(present)
        mx_safe = jnp.maximum(mx, 1)
        cls = (ks - 1) // mx_safe  # ceil(k/mx) - 1 for k >= 1
        pk = jnp.where(present, ks, -1)
        k_last = jnp.max(pk)
        k_prev = jnp.max(jnp.where(ks == k_last, -1, pk))
        eff = jnp.where(ks == k_last, (k_prev - 1) // mx_safe, cls)
        included = present & (counts >= 2) & (ks >= 1)
        omit = jnp.zeros((K,), dtype=bool)
        for oc in OMIT_LIST:
            omit = omit | (eff == oc)
        included = included & (~omit)
        prev_idx = jax.lax.cummax(jnp.where(included, ks, -1))
        prev_idx = jnp.concatenate(
            [jnp.full((1,), -1, dtype=prev_idx.dtype), prev_idx[:-1]])
        prev_cls = jnp.where(prev_idx < 0,
                             jnp.asarray(-(10 ** 9), dtype=eff.dtype),
                             eff[jnp.maximum(prev_idx, 0)])
        new_group = included & (eff != prev_cls)
        gid = jnp.where(included, jnp.cumsum(new_group) - 1, -1)
        Mf = (jnp.arange(K)[:, None] == gid[None, :]).astype(means.dtype)
        P = jnp.mean(jnp.abs(means[:, None, :] - means[None, :, :]), axis=-1)
        S = jnp.sum(Mf, axis=1)
        num = jnp.sum((Mf @ P) * Mf, axis=1)
        ret = num / jnp.maximum(S, 1.0) ** 2
        ret = jnp.where(ret < 1, 0.5 * ret ** 2, ret - 0.5)
        valid = (S > 0) & (n_present > 1)
        total = total + jnp.sum(jnp.where(valid, ret, 0.0)).astype(jnp.float32)
        count = count + jnp.sum(valid)
    loss = jnp.where(count > 0,
                     total / jnp.maximum(count, 1).astype(jnp.float32),
                     jnp.zeros((), dtype=jnp.float32))
    loss = loss.reshape(1).astype(jnp.float32)
    return loss / B


def reference(feature_out, labels, indexes):
    return _lintra_forward(feature_out, labels, indexes)

if __name__ == "__main__":
    import jax
    _d = setup_inputs()
    print(jax.jit(kernel)(*tuple(_d.values())))

</pallas_src>

<mosaic_0001>
#map = affine_map<(d0, d1) -> (0)>
#map1 = affine_map<(d0, d1) -> (0, 0)>
module attributes {stable_mosaic.version = 14 : i64} {
  func.func @_sc_hist(%arg0: i32, %arg1: i32, %arg2: memref<294912xi32, #tpu.memory_space<hbm>>, %arg3: memref<294912xi32, #tpu.memory_space<hbm>>, %arg4: memref<32x160xf32, #tpu.memory_space<hbm>>, %arg5: memref<9216xi32, #tpu.memory_space<vmem>>, %arg6: memref<9216xi32, #tpu.memory_space<vmem>>, %arg7: memref<160xf32, #tpu.memory_space<vmem>>) attributes {dimension_semantics = [#tpu.dimension_semantics<core_parallel>, #tpu.dimension_semantics<subcore_parallel>], iteration_bounds = array<i64: 2, 16>, scalar_prefetch = 0 : i64, scratch_operands = 3 : i64, tpu.core_type = #tpu.core_type<sc_vector_subcore>, window_params = [{transform_indices = #map}, {transform_indices = #map}, {transform_indices = #map1}]} {
    %mul3A = arith.constant 2 : i32
    %mul3A_0 = arith.muli %arg1, %mul3A : i32
    %add3A = arith.addi %mul3A_0, %arg0 : i32
    %mul3A_1 = arith.constant 9216 : i32
    %mul3A_2 = arith.muli %add3A, %mul3A_1 : i32
    "tpu.region"() ({
      %run_scoped3A = tpu.sem_alloc : memref<!tpu.dma_semaphore, #tpu.memory_space<semaphore_mem>>
      %dma_start3A = tpu.memref_slice %arg2[%mul3A_2] : memref<294912xi32, #tpu.memory_space<hbm>> -> memref<9216xi32, #tpu.memory_space<hbm>>
      %dma_start3A_35 = tpu.memref_slice %arg2[%mul3A_2] : memref<294912xi32, #tpu.memory_space<hbm>> -> memref<9216xi32, #tpu.memory_space<hbm>>
      tpu.enqueue_dma source(%dma_start3A_35 : memref<9216xi32, #tpu.memory_space<hbm>>) target(%arg5 : memref<9216xi32, #tpu.memory_space<vmem>>) target_semaphore(%run_scoped3A : memref<!tpu.dma_semaphore, #tpu.memory_space<semaphore_mem>>)
      %dma_wait3A = tpu.memref_slice %arg2[%mul3A_2] : memref<294912xi32, #tpu.memory_space<hbm>> -> memref<9216xi32, #tpu.memory_space<hbm>>
      %dma_wait3A_36 = tpu.memref_slice %arg2[%mul3A_2] : memref<294912xi32, #tpu.memory_space<hbm>> -> memref<9216xi32, #tpu.memory_space<hbm>>
      tpu.wait_dma2 semaphore(%run_scoped3A : memref<!tpu.dma_semaphore, #tpu.memory_space<semaphore_mem>>) src(%dma_wait3A_36 : memref<9216xi32, #tpu.memory_space<hbm>>) dst(%arg5 : memref<9216xi32, #tpu.memory_space<vmem>>)
      tpu.yield
    }) : () -> ()
    "tpu.region"() ({
      %run_scoped3A = tpu.sem_alloc : memref<!tpu.dma_semaphore, #tpu.memory_space<semaphore_mem>>
      %dma_start3A = tpu.memref_slice %arg3[%mul3A_2] : memref<294912xi32, #tpu.memory_space<hbm>> -> memref<9216xi32, #tpu.memory_space<hbm>>
      %dma_start3A_35 = tpu.memref_slice %arg3[%mul3A_2] : memref<294912xi32, #tpu.memory_space<hbm>> -> memref<9216xi32, #tpu.memory_space<hbm>>
      tpu.enqueue_dma source(%dma_start3A_35 : memref<9216xi32, #tpu.memory_space<hbm>>) target(%arg6 : memref<9216xi32, #tpu.memory_space<vmem>>) target_semaphore(%run_scoped3A : memref<!tpu.dma_semaphore, #tpu.memory_space<semaphore_mem>>)
      %dma_wait3A = tpu.memref_slice %arg3[%mul3A_2] : memref<294912xi32, #tpu.memory_space<hbm>> -> memref<9216xi32, #tpu.memory_space<hbm>>
      %dma_wait3A_36 = tpu.memref_slice %arg3[%mul3A_2] : memref<294912xi32, #tpu.memory_space<hbm>> -> memref<9216xi32, #tpu.memory_space<hbm>>
      tpu.wait_dma2 semaphore(%run_scoped3A : memref<!tpu.dma_semaphore, #tpu.memory_space<semaphore_mem>>) src(%dma_wait3A_36 : memref<9216xi32, #tpu.memory_space<hbm>>) dst(%arg6 : memref<9216xi32, #tpu.memory_space<vmem>>)
      tpu.yield
    }) : () -> ()
    %broadcast_in_dim3A = arith.constant 0.000000e+00 : f32
    %broadcast_in_dim3A_3 = vector.broadcast %broadcast_in_dim3A : f32 to vector<16xf32>
    %swap3A = arith.constant 0 : index
    %swap3A_4 = tpu.vector_load %arg7[%swap3A] {strides = array<i32>} : memref<160xf32, #tpu.memory_space<vmem>>, vector<16xf32>,
    tpu.vector_store %arg7[%swap3A], %broadcast_in_dim3A_3 {strides = array<i32>} : memref<160xf32, #tpu.memory_space<vmem>>, vector<16xf32>,
    %swap3A_5 = arith.constant 16 : index
    %swap3A_6 = tpu.vector_load %arg7[%swap3A_5] {strides = array<i32>} : memref<160xf32, #tpu.memory_space<vmem>>, vector<16xf32>,
    tpu.vector_store %arg7[%swap3A_5], %broadcast_in_dim3A_3 {strides = array<i32>} : memref<160xf32, #tpu.memory_space<vmem>>, vector<16xf32>,
    %swap3A_7 = arith.constant 32 : index
    %swap3A_8 = tpu.vector_load %arg7[%swap3A_7] {strides = array<i32>} : memref<160xf32, #tpu.memory_space<vmem>>, vector<16xf32>,
    tpu.vector_store %arg7[%swap3A_7], %broadcast_in_dim3A_3 {strides = array<i32>} : memref<160xf32, #tpu.memory_space<vmem>>, vector<16xf32>,
    %swap3A_9 = arith.constant 48 : index
    %swap3A_10 = tpu.vector_load %arg7[%swap3A_9] {strides = array<i32>} : memref<160xf32, #tpu.memory_space<vmem>>, vector<16xf32>,
    tpu.vector_store %arg7[%swap3A_9], %broadcast_in_dim3A_3 {strides = array<i32>} : memref<160xf32, #tpu.memory_space<vmem>>, vector<16xf32>,
    %swap3A_11 = arith.constant 64 : index
    %swap3A_12 = tpu.vector_load %arg7[%swap3A_11] {strides = array<i32>} : memref<160xf32, #tpu.memory_space<vmem>>, vector<16xf32>,
    tpu.vector_store %arg7[%swap3A_11], %broadcast_in_dim3A_3 {strides = array<i32>} : memref<160xf32, #tpu.memory_space<vmem>>, vector<16xf32>,
    %swap3A_13 = arith.constant 80 : index
    %swap3A_14 = tpu.vector_load %arg7[%swap3A_13] {strides = array<i32>} : memref<160xf32, #tpu.memory_space<vmem>>, vector<16xf32>,
    tpu.vector_store %arg7[%swap3A_13], %broadcast_in_dim3A_3 {strides = array<i32>} : memref<160xf32, #tpu.memory_space<vmem>>, vector<16xf32>,
    %swap3A_15 = arith.constant 96 : index
    %swap3A_16 = tpu.vector_load %arg7[%swap3A_15] {strides = array<i32>} : memref<160xf32, #tpu.memory_space<vmem>>, vector<16xf32>,
    tpu.vector_store %arg7[%swap3A_15], %broadcast_in_dim3A_3 {strides = array<i32>} : memref<160xf32, #tpu.memory_space<vmem>>, vector<16xf32>,
    %swap3A_17 = arith.constant 112 : index
    %swap3A_18 = tpu.vector_load %arg7[%swap3A_17] {strides = array<i32>} : memref<160xf32, #tpu.memory_space<vmem>>, vector<16xf32>,
    tpu.vector_store %arg7[%swap3A_17], %broadcast_in_dim3A_3 {strides = array<i32>} : memref<160xf32, #tpu.memory_space<vmem>>, vector<16xf32>,
    %swap3A_19 = arith.constant 128 : index
    %swap3A_20 = tpu.vector_load %arg7[%swap3A_19] {strides = array<i32>} : memref<160xf32, #tpu.memory_space<vmem>>, vector<16xf32>,
    tpu.vector_store %arg7[%swap3A_19], %broadcast_in_dim3A_3 {strides = array<i32>} : memref<160xf32, #tpu.memory_space<vmem>>, vector<16xf32>,
    %swap3A_21 = arith.constant 144 : index
    %swap3A_22 = tpu.vector_load %arg7[%swap3A_21] {strides = array<i32>} : memref<160xf32, #tpu.memory_space<vmem>>, vector<16xf32>,
    tpu.vector_store %arg7[%swap3A_21], %broadcast_in_dim3A_3 {strides = array<i32>} : memref<160xf32, #tpu.memory_space<vmem>>, vector<16xf32>,
    %broadcast_in_dim3A_23 = arith.constant 1.000000e+00 : f32
    %broadcast_in_dim3A_24 = vector.broadcast %broadcast_in_dim3A_23 : f32 to vector<16xf32>
    %while3A = arith.constant 0 : i32
    %while3A_25 = arith.constant 0 : i32
    %while3A_26 = arith.constant 576 : i32
    %while3A_27 = arith.subi %while3A_26, %while3A_25 : i32
    %while3A_28 = arith.addi %while3A_25, %while3A_27 : i32
    %while3A_29 = arith.constant 1 : i32
    %while3A_30 = arith.divsi %while3A_27, %while3A_29 : i32
    %while3A_31 = arith.muli %while3A_30, %while3A_29 : i32
    %while3A_32 = arith.addi %while3A_25, %while3A_31 : i32
    %while3A_33 = arith.constant 1 : i32
    scf.for %while3A_35 = %while3A_25 to %while3A_32 step %while3A_33  : i32 {
      %mul3A_36 = arith.constant 16 : i32
      %mul3A_37 = arith.muli %while3A_35, %mul3A_36 : i32
      %get3A = arith.index_cast %mul3A_37 : i32 to index
      %get3A_38 = tpu.vector_load %arg5[%get3A] {strides = array<i32>} : memref<9216xi32, #tpu.memory_space<vmem>>, vector<16xi32>,
      %get3A_39 = arith.index_cast %mul3A_37 : i32 to index
      %get3A_40 = tpu.vector_load %arg6[%get3A_39] {strides = array<i32>} : memref<9216xi32, #tpu.memory_space<vmem>>, vector<16xi32>,
      %eq3A = arith.constant 255 : i32
      %eq3A_41 = vector.broadcast %eq3A : i32 to vector<16xi32>
      %eq3A_42 = arith.cmpi eq, %get3A_38, %eq3A_41 : vector<16xi32>
      %mul3A_43 = arith.constant 32 : i32
      %mul3A_44 = vector.broadcast %mul3A_43 : i32 to vector<16xi32>
      %mul3A_45 = arith.muli %get3A_38, %mul3A_44 : vector<16xi32>
      %add3A_46 = arith.addi %mul3A_45, %get3A_40 : vector<16xi32>
      %jit3A = arith.constant 0 : i32
      %broadcast_in_dim3A_47 = vector.broadcast %jit3A : i32 to vector<16xi32>
      %select_n3A = arith.select %eq3A_42, %broadcast_in_dim3A_47, %add3A_46 : vector<16xi1>, vector<16xi32>
      tpu.vector_store_idx %arg7[%select_n3A], %broadcast_in_dim3A_24 {add = true} : memref<160xf32, #tpu.memory_space<vmem>>[vector<16xi32>], vector<16xf32>,
    }
    %while3A_34 = arith.constant 1 : i32
    scf.for %while3A_35 = %while3A_32 to %while3A_28 step %while3A_34  : i32 {
      %mul3A_36 = arith.constant 16 : i32
      %mul3A_37 = arith.muli %while3A_35, %mul3A_36 : i32
      %get3A = arith.index_cast %mul3A_37 : i32 to index
      %get3A_38 = tpu.vector_load %arg5[%get3A] {strides = array<i32>} : memref<9216xi32, #tpu.memory_space<vmem>>, vector<16xi32>,
      %get3A_39 = arith.index_cast %mul3A_37 : i32 to index
      %get3A_40 = tpu.vector_load %arg6[%get3A_39] {strides = array<i32>} : memref<9216xi32, #tpu.memory_space<vmem>>, vector<16xi32>,
      %eq3A = arith.constant 255 : i32
      %eq3A_41 = vector.broadcast %eq3A : i32 to vector<16xi32>
      %eq3A_42 = arith.cmpi eq, %get3A_38, %eq3A_41 : vector<16xi32>
      %mul3A_43 = arith.constant 32 : i32
      %mul3A_44 = vector.broadcast %mul3A_43 : i32 to vector<16xi32>
      %mul3A_45 = arith.muli %get3A_38, %mul3A_44 : vector<16xi32>
      %add3A_46 = arith.addi %mul3A_45, %get3A_40 : vector<16xi32>
      %jit3A = arith.constant 0 : i32
      %broadcast_in_dim3A_47 = vector.broadcast %jit3A : i32 to vector<16xi32>
      %select_n3A = arith.select %eq3A_42, %broadcast_in_dim3A_47, %add3A_46 : vector<16xi1>, vector<16xi32>
      tpu.vector_store_idx %arg7[%select_n3A], %broadcast_in_dim3A_24 {add = true} : memref<160xf32, #tpu.memory_space<vmem>>[vector<16xi32>], vector<16xf32>,
    }
    "tpu.region"() ({
      %run_scoped3A = tpu.sem_alloc : memref<!tpu.dma_semaphore, #tpu.memory_space<semaphore_mem>>
      %dma_start3A = arith.constant 0 : i32
      %dma_start3A_35 = tpu.memref_slice %arg4[%add3A, %dma_start3A] : memref<32x160xf32, #tpu.memory_space<hbm>> -> memref<1x160xf32, #tpu.memory_space<hbm>>
      %dma_start3A_36 = tpu.memref_squeeze %dma_start3A_35 : memref<1x160xf32, #tpu.memory_space<hbm>> -> memref<160xf32, #tpu.memory_space<hbm>>
      %dma_start3A_37 = arith.constant 0 : i32
      %dma_start3A_38 = tpu.memref_slice %arg4[%add3A, %dma_start3A_37] : memref<32x160xf32, #tpu.memory_space<hbm>> -> memref<1x160xf32, #tpu.memory_space<hbm>>
      %dma_start3A_39 = tpu.memref_squeeze %dma_start3A_38 : memref<1x160xf32, #tpu.memory_space<hbm>> -> memref<160xf32, #tpu.memory_space<hbm>>
      tpu.enqueue_dma source(%arg7 : memref<160xf32, #tpu.memory_space<vmem>>) target(%dma_start3A_39 : memref<160xf32, #tpu.memory_space<hbm>>) target_semaphore(%run_scoped3A : memref<!tpu.dma_semaphore, #tpu.memory_space<semaphore_mem>>)
      %dma_wait3A = arith.constant 0 : i32
      %dma_wait3A_40 = tpu.memref_slice %arg4[%add3A, %dma_wait3A] : memref<32x160xf32, #tpu.memory_space<hbm>> -> memref<1x160xf32, #tpu.memory_space<hbm>>
      %dma_wait3A_41 = tpu.memref_squeeze %dma_wait3A_40 : memref<1x160xf32, #tpu.memory_space<hbm>> -> memref<160xf32, #tpu.memory_space<hbm>>
      %dma_wait3A_42 = arith.constant 0 : i32
      %dma_wait3A_43 = tpu.memref_slice %arg4[%add3A, %dma_wait3A_42] : memref<32x160xf32, #tpu.memory_space<hbm>> -> memref<1x160xf32, #tpu.memory_space<hbm>>
      %dma_wait3A_44 = tpu.memref_squeeze %dma_wait3A_43 : memref<1x160xf32, #tpu.memory_space<hbm>> -> memref<160xf32, #tpu.memory_space<hbm>>
      tpu.wait_dma2 semaphore(%run_scoped3A : memref<!tpu.dma_semaphore, #tpu.memory_space<semaphore_mem>>) src(%arg7 : memref<160xf32, #tpu.memory_space<vmem>>) dst(%dma_wait3A_44 : memref<160xf32, #tpu.memory_space<hbm>>)
      tpu.yield
    }) : () -> ()
    return
  }
}

module attributes {stable_mosaic.version = 14 : i64} {
  func.func @_segsum_body(%arg0: i32, %arg1: i32, %arg2: memref<1x8x384xi32, #tpu.memory_space<vmem>>, %arg3: memref<1x8x384xi32, #tpu.memory_space<vmem>>, %arg4: memref<1x192x8x384xf32, #tpu.memory_space<vmem>>, %arg5: memref<1x192x160xf32, #tpu.memory_space<vmem>>) attributes {dimension_semantics = [#tpu.dimension_semantics<arbitrary>, #tpu.dimension_semantics<arbitrary>], iteration_bounds = array<i64: 2, 48>, scalar_prefetch = 0 : i64, scratch_operands = 0 : i64, tpu.core_type = #tpu.core_type<tc>, window_params = [{transform_indices = @transform_0, window_bounds = array<i64: 1, 8, 384>}, {transform_indices = @transform_1, window_bounds = array<i64: 1, 8, 384>}, {transform_indices = @transform_2, window_bounds = array<i64: 1, 192, 8, 384>}, {transform_indices = @transform_3, window_bounds = array<i64: 1, 192, 160>}]} {
    %eq3A = arith.constant 0 : i32
    %eq3A_0 = arith.cmpi eq, %arg1, %eq3A : i32
    %convert_element_type3A = arith.extui %eq3A_0 : i1 to i32
    %cond3A = arith.constant 0 : i32
    %cond3A_1 = arith.cmpi ne, %convert_element_type3A, %cond3A : i32
    scf.if %cond3A_1 {
      %broadcast_in_dim3A_40 = arith.constant 0.000000e+00 : f32
      %broadcast_in_dim3A_41 = vector.broadcast %broadcast_in_dim3A_40 : f32 to vector<1x192x160xf32>
      %swap3A_42 = arith.constant 0 : index
      %swap3A_43 = arith.constant 0 : index
      %swap3A_44 = arith.constant 0 : index
      %swap3A_45 = vector.load %arg5[%swap3A_42, %swap3A_43, %swap3A_44] : memref<1x192x160xf32, #tpu.memory_space<vmem>>, vector<1x192x160xf32>
      tpu.vector_store %arg5[%swap3A_42, %swap3A_43, %swap3A_44], %broadcast_in_dim3A_41 {strides = array<i32>} : memref<1x192x160xf32, #tpu.memory_space<vmem>>, vector<1x192x160xf32>,
    } else {
    }
    %get3A = arith.constant 0 : index
    %get3A_2 = arith.constant 0 : index
    %get3A_3 = arith.constant 0 : index
    %get3A_4 = vector.load %arg2[%get3A, %get3A_2, %get3A_3] : memref<1x8x384xi32, #tpu.memory_space<vmem>>, vector<1x8x384xi32>
    %get3A_5 = vector.shape_cast %get3A_4 : vector<1x8x384xi32> to vector<8x384xi32>
    %reshape3A = vector.shape_cast %get3A_5 : vector<8x384xi32> to vector<1x3072xi32>
    %get3A_6 = arith.constant 0 : index
    %get3A_7 = arith.constant 0 : index
    %get3A_8 = arith.constant 0 : index
    %get3A_9 = vector.load %arg3[%get3A_6, %get3A_7, %get3A_8] : memref<1x8x384xi32, #tpu.memory_space<vmem>>, vector<1x8x384xi32>
    %get3A_10 = vector.shape_cast %get3A_9 : vector<1x8x384xi32> to vector<8x384xi32>
    %reshape3A_11 = vector.shape_cast %get3A_10 : vector<8x384xi32> to vector<1x3072xi32>
    %eq3A_12 = arith.constant 255 : i32
    %eq3A_13 = vector.broadcast %eq3A_12 : i32 to vector<1x3072xi32>
    %eq3A_14 = arith.cmpi eq, %reshape3A, %eq3A_13 : vector<1x3072xi32>
    %mul3A = arith.constant 32 : i32
    %mul3A_15 = vector.broadcast %mul3A : i32 to vector<1x3072xi32>
    %mul3A_16 = arith.muli %reshape3A, %mul3A_15 : vector<1x3072xi32>
    %add3A = arith.addi %mul3A_16, %reshape3A_11 : vector<1x3072xi32>
    %jit3A = arith.constant 0 : i64
    %convert_element_type3A_17 = arith.trunci %jit3A : i64 to i32
    %broadcast_in_dim3A = vector.broadcast %convert_element_type3A_17 : i32 to vector<1x3072xi32>
    %select_n3A = arith.select %eq3A_14, %broadcast_in_dim3A, %add3A : vector<1x3072xi1>, vector<1x3072xi32>
    %iota3A = tpu.iota {dimensions = array<i32: 0>} : vector<160x3072xi32>
    %broadcast_in_dim3A_18 = vector.shape_cast %select_n3A : vector<1x3072xi32> to vector<1x3072xi32>
    %broadcast_in_dim3A_19 = vector.broadcast %broadcast_in_dim3A_18 : vector<1x3072xi32> to vector<160x3072xi32>
    %eq3A_20 = arith.cmpi eq, %iota3A, %broadcast_in_dim3A_19 : vector<160x3072xi32>
    %convert_element_type3A_21 = arith.extui %eq3A_20 : vector<160x3072xi1> to vector<160x3072xi32>
    %convert_element_type3A_22 = arith.sitofp %convert_element_type3A_21 : vector<160x3072xi32> to vector<160x3072xf32>
    %get3A_23 = arith.constant 0 : index
    %get3A_24 = arith.constant 0 : index
    %get3A_25 = arith.constant 0 : index
    %get3A_26 = arith.constant 0 : index
    %get3A_27 = vector.load %arg4[%get3A_23, %get3A_24, %get3A_25, %get3A_26] : memref<1x192x8x384xf32, #tpu.memory_space<vmem>>, vector<1x192x8x384xf32>
    %get3A_28 = vector.shape_cast %get3A_27 : vector<1x192x8x384xf32> to vector<192x8x384xf32>
    %reshape3A_29 = vector.shape_cast %get3A_28 : vector<192x8x384xf32> to vector<192x3072xf32>
    %dot_general3A = arith.constant dense<0.000000e+00> : vector<192x160xf32>
    %dot_general3A_30 = tpu.matmul %reshape3A_29, %convert_element_type3A_22, %dot_general3A {dimension_numbers = #tpu.dot_dimension_numbers<[1], [1], [0], [0], [0, 0, 1, 0], [], []>, transpose_lhs_hint = false} : vector<192x3072xf32>, vector<160x3072xf32>, vector<192x160xf32> -> vector<192x160xf32>
    %get3A_31 = arith.constant 0 : index
    %get3A_32 = arith.constant 0 : index
    %get3A_33 = arith.constant 0 : index
    %get3A_34 = vector.load %arg5[%get3A_31, %get3A_32, %get3A_33] : memref<1x192x160xf32, #tpu.memory_space<vmem>>, vector<1x192x160xf32>
    %broadcast_in_dim3A_35 = vector.shape_cast %dot_general3A_30 : vector<192x160xf32> to vector<1x192x160xf32>
    %add3A_36 = arith.addf %get3A_34, %broadcast_in_dim3A_35 : vector<1x192x160xf32>
    %swap3A = arith.constant 0 : index
    %swap3A_37 = arith.constant 0 : index
    %swap3A_38 = arith.constant 0 : index
    %swap3A_39 = vector.load %arg5[%swap3A, %swap3A_37, %swap3A_38] : memref<1x192x160xf32, #tpu.memory_space<vmem>>, vector<1x192x160xf32>
    tpu.vector_store %arg5[%swap3A, %swap3A_37, %swap3A_38], %add3A_36 {strides = array<i32>} : memref<1x192x160xf32, #tpu.memory_space<vmem>>, vector<1x192x160xf32>,
    return
  }
  func.func @transform_0(%arg0: i32, %arg1: i32) -> (i32, i32, i32) {
    %c0_i32 = arith.constant 0 : i32
    %c0_i32_0 = arith.constant 0 : i32
    return %arg0, %arg1, %c0_i32 : i32, i32, i32
  }
  func.func @transform_1(%arg0: i32, %arg1: i32) -> (i32, i32, i32) {
    %c0_i32 = arith.constant 0 : i32
    %c0_i32_0 = arith.constant 0 : i32
    return %arg0, %arg1, %c0_i32 : i32, i32, i32
  }
  func.func @transform_2(%arg0: i32, %arg1: i32) -> (i32, i32, i32, i32) {
    %c0_i32 = arith.constant 0 : i32
    %c0_i32_0 = arith.constant 0 : i32
    %c0_i32_1 = arith.constant 0 : i32
    return %arg0, %c0_i32, %arg1, %c0_i32_0 : i32, i32, i32, i32
  }
  func.func @transform_3(%arg0: i32, %arg1: i32) -> (i32, i32, i32) {
    %c0_i32 = arith.constant 0 : i32
    %c0_i32_0 = arith.constant 0 : i32
    %c0_i32_1 = arith.constant 0 : i32
    return %arg0, %c0_i32, %c0_i32_0 : i32, i32, i32
  }
}

module attributes {stable_mosaic.version = 14 : i64} {
  func.func @_finalize_body(%arg0: memref<2x192x160xf32, #tpu.memory_space<vmem>>, %arg1: memref<2x16x160xf32, #tpu.memory_space<vmem>>, %arg2: memref<1x1xf32, #tpu.memory_space<vmem>>) attributes {dimension_semantics = [], scalar_prefetch = 0 : i64, scratch_operands = 0 : i64, tpu.core_type = #tpu.core_type<tc>} {
    %iota3A = tpu.iota {dimensions = array<i32: 0>} : vector<160x160xi32>
    %iota3A_0 = tpu.iota {dimensions = array<i32: 1>} : vector<160x160xi32>
    %eq3A = arith.cmpi eq, %iota3A, %iota3A_0 : vector<160x160xi32>
    %iota3A_1 = tpu.iota {dimensions = array<i32: 1>} : vector<1x160xi32>
    %get3A = arith.constant 0 : index
    %get3A_2 = arith.constant 0 : index
    %get3A_3 = arith.constant 0 : index
    %get3A_4 = vector.load %arg1[%get3A, %get3A_2, %get3A_3] : memref<2x16x160xf32, #tpu.memory_space<vmem>>, vector<1x16x160xf32>
    %get3A_5 = vector.shape_cast %get3A_4 : vector<1x16x160xf32> to vector<16x160xf32>
    %reduce_sum3A = arith.constant dense<0.000000e+00> : vector<160xf32>
    %reduce_sum3A_6 = vector.multi_reduction <add>, %get3A_5, %reduce_sum3A [0] : vector<16x160xf32> to vector<160xf32>
    %broadcast_in_dim3A = vector.shape_cast %reduce_sum3A_6 : vector<160xf32> to vector<1x160xf32>
    %get3A_7 = arith.constant 0 : index
    %get3A_8 = arith.constant 0 : index
    %get3A_9 = arith.constant 0 : index
    %get3A_10 = vector.load %arg0[%get3A_7, %get3A_8, %get3A_9] : memref<2x192x160xf32, #tpu.memory_space<vmem>>, vector<1x192x160xf32>
    %get3A_11 = vector.shape_cast %get3A_10 : vector<1x192x160xf32> to vector<192x160xf32>
    %gt3A = arith.constant 0.000000e+00 : f32
    %gt3A_12 = vector.broadcast %gt3A : f32 to vector<1x160xf32>
    %gt3A_13 = arith.cmpf ogt, %broadcast_in_dim3A, %gt3A_12 : vector<1x160xf32>
    %and3A = arith.constant 31 : i32
    %and3A_14 = vector.broadcast %and3A : i32 to vector<1x160xi32>
    %and3A_15 = arith.andi %iota3A_1, %and3A_14 : vector<1x160xi32>
    %jit3A = arith.constant 0 : i64
    %convert_element_type3A = arith.trunci %jit3A : i64 to i32
    %broadcast_in_dim3A_16 = vector.broadcast %convert_element_type3A : i32 to vector<1x160xi32>
    %select_n3A = arith.select %gt3A_13, %and3A_15, %broadcast_in_dim3A_16 : vector<1x160xi1>, vector<1x160xi32>
    %reduce_max3A = vector.shape_cast %select_n3A : vector<1x160xi32> to vector<1x1x160xi32>
    %reduce_max3A_17 = arith.constant dense<-2147483648> : vector<1xi32>
    %reduce_max3A_18 = vector.multi_reduction <maxsi>, %reduce_max3A, %reduce_max3A_17 [1, 2] : vector<1x1x160xi32> to vector<1xi32>
    %reduce_max3A_19 = vector.shape_cast %reduce_max3A_18 : vector<1xi32> to vector<1x1x1xi32>
    %reduce_max3A_20 = vector.extract %reduce_max3A_19[0, 0, 0] : i32 from vector<1x1x1xi32>
    %max3A = arith.constant 1 : i32
    %max3A_21 = arith.maxsi %reduce_max3A_20, %max3A : i32
    %shift_right_arithmetic3A = arith.constant 5 : i32
    %shift_right_arithmetic3A_22 = vector.broadcast %shift_right_arithmetic3A : i32 to vector<160x160xi32>
    %shift_right_arithmetic3A_23 = arith.shrsi %iota3A, %shift_right_arithmetic3A_22 : vector<160x160xi32>
    %mul3A = vector.broadcast %reduce_max3A_20 : i32 to vector<160x160xi32>
    %mul3A_24 = arith.muli %mul3A, %shift_right_arithmetic3A_23 : vector<160x160xi32>
    %and3A_25 = arith.constant 31 : i32
    %and3A_26 = vector.broadcast %and3A_25 : i32 to vector<160x160xi32>
    %and3A_27 = arith.andi %iota3A, %and3A_26 : vector<160x160xi32>
    %add3A = arith.addi %mul3A_24, %and3A_27 : vector<160x160xi32>
    %eq3A_28 = arith.cmpi eq, %add3A, %iota3A_0 : vector<160x160xi32>
    %convert_element_type3A_29 = arith.extui %eq3A_28 : vector<160x160xi1> to vector<160x160xi32>
    %convert_element_type3A_30 = arith.sitofp %convert_element_type3A_29 : vector<160x160xi32> to vector<160x160xf32>
    %dot_general3A = arith.constant dense<0.000000e+00> : vector<1x160xf32>
    %dot_general3A_31 = tpu.matmul %broadcast_in_dim3A, %convert_element_type3A_30, %dot_general3A {dimension_numbers = #tpu.dot_dimension_numbers<[1], [0], [0], [1], [0, 0, 1, 1], [], []>, transpose_lhs_hint = false} : vector<1x160xf32>, vector<160x160xf32>, vector<1x160xf32> -> vector<1x160xf32>
    %dot_general3A_32 = arith.constant dense<0.000000e+00> : vector<192x160xf32>
    %dot_general3A_33 = tpu.matmul %get3A_11, %convert_element_type3A_30, %dot_general3A_32 {dimension_numbers = #tpu.dot_dimension_numbers<[1], [0], [0], [1], [0, 0, 1, 1], [], []>, transpose_lhs_hint = false} : vector<192x160xf32>, vector<160x160xf32>, vector<192x160xf32> -> vector<192x160xf32>
    %max3A_34 = arith.constant 1.000000e+00 : f32
    %max3A_35 = vector.broadcast %max3A_34 : f32 to vector<1x160xf32>
    %max3A_36 = arith.maximumf %dot_general3A_31, %max3A_35 : vector<1x160xf32>
    %div3A = vector.broadcast %max3A_36 : vector<1x160xf32> to vector<192x160xf32>
    %div3A_37 = arith.divf %dot_general3A_33, %div3A : vector<192x160xf32>
    %gt3A_38 = arith.constant 0.000000e+00 : f32
    %gt3A_39 = vector.broadcast %gt3A_38 : f32 to vector<1x160xf32>
    %gt3A_40 = arith.cmpf ogt, %dot_general3A_31, %gt3A_39 : vector<1x160xf32>
    %convert_element_type3A_41 = arith.extui %gt3A_40 : vector<1x160xi1> to vector<1x160xi32>
    %convert_element_type3A_42 = arith.sitofp %convert_element_type3A_41 : vector<1x160xi32> to vector<1x160xf32>
    %reduce_sum3A_43 = vector.shape_cast %convert_element_type3A_42 : vector<1x160xf32> to vector<1x1x160xf32>
    %reduce_sum3A_44 = arith.constant dense<0.000000e+00> : vector<1xf32>
    %reduce_sum3A_45 = vector.multi_reduction <add>, %reduce_sum3A_43, %reduce_sum3A_44 [1, 2] : vector<1x1x160xf32> to vector<1xf32>
    %reduce_sum3A_46 = vector.shape_cast %reduce_sum3A_45 : vector<1xf32> to vector<1x1x1xf32>
    %reduce_sum3A_47 = vector.extract %reduce_sum3A_46[0, 0, 0] : f32 from vector<1x1x1xf32>
    %broadcast_in_dim3A_48 = arith.constant 0.000000e+00 : f32
    %broadcast_in_dim3A_49 = vector.broadcast %broadcast_in_dim3A_48 : f32 to vector<160x160xf32>
    %slice3A = vector.extract_strided_slice %div3A_37 {offsets = [0, 0], sizes = [8, 160], strides = [1, 1]} : vector<192x160xf32> to vector<8x160xf32>
    %broadcast_in_dim3A_50 = vector.shape_cast %slice3A : vector<8x160xf32> to vector<8x160x1xf32>
    %broadcast_in_dim3A_51 = vector.shape_cast %slice3A : vector<8x160xf32> to vector<8x1x160xf32>
    %sub3A = vector.broadcast %broadcast_in_dim3A_50 : vector<8x160x1xf32> to vector<8x160x160xf32>
    %sub3A_52 = vector.broadcast %broadcast_in_dim3A_51 : vector<8x1x160xf32> to vector<8x160x160xf32>
    %sub3A_53 = arith.subf %sub3A, %sub3A_52 : vector<8x160x160xf32>
    %abs3A = math.absf %sub3A_53 : vector<8x160x160xf32>
    %reduce_sum3A_54 = arith.constant dense<0.000000e+00> : vector<160x160xf32>
    %reduce_sum3A_55 = vector.multi_reduction <add>, %abs3A, %reduce_sum3A_54 [0] : vector<8x160x160xf32> to vector<160x160xf32>
    %add3A_56 = arith.addf %broadcast_in_dim3A_49, %reduce_sum3A_55 : vector<160x160xf32>
    %slice3A_57 = vector.extract_strided_slice %div3A_37 {offsets = [8, 0], sizes = [8, 160], strides = [1, 1]} : vector<192x160xf32> to vector<8x160xf32>
    %broadcast_in_dim3A_58 = vector.shape_cast %slice3A_57 : vector<8x160xf32> to vector<8x160x1xf32>
    %broadcast_in_dim3A_59 = vector.shape_cast %slice3A_57 : vector<8x160xf32> to vector<8x1x160xf32>
    %sub3A_60 = vector.broadcast %broadcast_in_dim3A_58 : vector<8x160x1xf32> to vector<8x160x160xf32>
    %sub3A_61 = vector.broadcast %broadcast_in_dim3A_59 : vector<8x1x160xf32> to vector<8x160x160xf32>
    %sub3A_62 = arith.subf %sub3A_60, %sub3A_61 : vector<8x160x160xf32>
    %abs3A_63 = math.absf %sub3A_62 : vector<8x160x160xf32>
    %reduce_sum3A_64 = arith.constant dense<0.000000e+00> : vector<160x160xf32>
    %reduce_sum3A_65 = vector.multi_reduction <add>, %abs3A_63, %reduce_sum3A_64 [0] : vector<8x160x160xf32> to vector<160x160xf32>
    %add3A_66 = arith.addf %add3A_56, %reduce_sum3A_65 : vector<160x160xf32>
    %slice3A_67 = vector.extract_strided_slice %div3A_37 {offsets = [16, 0], sizes = [8, 160], strides = [1, 1]} : vector<192x160xf32> to vector<8x160xf32>
    %broadcast_in_dim3A_68 = vector.shape_cast %slice3A_67 : vector<8x160xf32> to vector<8x160x1xf32>
    %broadcast_in_dim3A_69 = vector.shape_cast %slice3A_67 : vector<8x160xf32> to vector<8x1x160xf32>
    %sub3A_70 = vector.broadcast %broadcast_in_dim3A_68 : vector<8x160x1xf32> to vector<8x160x160xf32>
    %sub3A_71 = vector.broadcast %broadcast_in_dim3A_69 : vector<8x1x160xf32> to vector<8x160x160xf32>
    %sub3A_72 = arith.subf %sub3A_70, %sub3A_71 : vector<8x160x160xf32>
    %abs3A_73 = math.absf %sub3A_72 : vector<8x160x160xf32>
    %reduce_sum3A_74 = arith.constant dense<0.000000e+00> : vector<160x160xf32>
    %reduce_sum3A_75 = vector.multi_reduction <add>, %abs3A_73, %reduce_sum3A_74 [0] : vector<8x160x160xf32> to vector<160x160xf32>
    %add3A_76 = arith.addf %add3A_66, %reduce_sum3A_75 : vector<160x160xf32>
    %slice3A_77 = vector.extract_strided_slice %div3A_37 {offsets = [24, 0], sizes = [8, 160], strides = [1, 1]} : vector<192x160xf32> to vector<8x160xf32>
    %broadcast_in_dim3A_78 = vector.shape_cast %slice3A_77 : vector<8x160xf32> to vector<8x160x1xf32>
    %broadcast_in_dim3A_79 = vector.shape_cast %slice3A_77 : vector<8x160xf32> to vector<8x1x160xf32>
    %sub3A_80 = vector.broadcast %broadcast_in_dim3A_78 : vector<8x160x1xf32> to vector<8x160x160xf32>
    %sub3A_81 = vector.broadcast %broadcast_in_dim3A_79 : vector<8x1x160xf32> to vector<8x160x160xf32>
    %sub3A_82 = arith.subf %sub3A_80, %sub3A_81 : vector<8x160x160xf32>
    %abs3A_83 = math.absf %sub3A_82 : vector<8x160x160xf32>
    %reduce_sum3A_84 = arith.constant dense<0.000000e+00> : vector<160x160xf32>
    %reduce_sum3A_85 = vector.multi_reduction <add>, %abs3A_83, %reduce_sum3A_84 [0] : vector<8x160x160xf32> to vector<160x160xf32>
    %add3A_86 = arith.addf %add3A_76, %reduce_sum3A_85 : vector<160x160xf32>
    %slice3A_87 = vector.extract_strided_slice %div3A_37 {offsets = [32, 0], sizes = [8, 160], strides = [1, 1]} : vector<192x160xf32> to vector<8x160xf32>
    %broadcast_in_dim3A_88 = vector.shape_cast %slice3A_87 : vector<8x160xf32> to vector<8x160x1xf32>
    %broadcast_in_dim3A_89 = vector.shape_cast %slice3A_87 : vector<8x160xf32> to vector<8x1x160xf32>
    %sub3A_90 = vector.broadcast %broadcast_in_dim3A_88 : vector<8x160x1xf32> to vector<8x160x160xf32>
    %sub3A_91 = vector.broadcast %broadcast_in_dim3A_89 : vector<8x1x160xf32> to vector<8x160x160xf32>
    %sub3A_92 = arith.subf %sub3A_90, %sub3A_91 : vector<8x160x160xf32>
    %abs3A_93 = math.absf %sub3A_92 : vector<8x160x160xf32>
    %reduce_sum3A_94 = arith.constant dense<0.000000e+00> : vector<160x160xf32>
    %reduce_sum3A_95 = vector.multi_reduction <add>, %abs3A_93, %reduce_sum3A_94 [0] : vector<8x160x160xf32> to vector<160x160xf32>
    %add3A_96 = arith.addf %add3A_86, %reduce_sum3A_95 : vector<160x160xf32>
    %slice3A_97 = vector.extract_strided_slice %div3A_37 {offsets = [40, 0], sizes = [8, 160], strides = [1, 1]} : vector<192x160xf32> to vector<8x160xf32>
    %broadcast_in_dim3A_98 = vector.shape_cast %slice3A_97 : vector<8x160xf32> to vector<8x160x1xf32>
    %broadcast_in_dim3A_99 = vector.shape_cast %slice3A_97 : vector<8x160xf32> to vector<8x1x160xf32>
    %sub3A_100 = vector.broadcast %broadcast_in_dim3A_98 : vector<8x160x1xf32> to vector<8x160x160xf32>
    %sub3A_101 = vector.broadcast %broadcast_in_dim3A_99 : vector<8x1x160xf32> to vector<8x160x160xf32>
    %sub3A_102 = arith.subf %sub3A_100, %sub3A_101 : vector<8x160x160xf32>
    %abs3A_103 = math.absf %sub3A_102 : vector<8x160x160xf32>
    %reduce_sum3A_104 = arith.constant dense<0.000000e+00> : vector<160x160xf32>
    %reduce_sum3A_105 = vector.multi_reduction <add>, %abs3A_103, %reduce_sum3A_104 [0] : vector<8x160x160xf32> to vector<160x160xf32>
    %add3A_106 = arith.addf %add3A_96, %reduce_sum3A_105 : vector<160x160xf32>
    %slice3A_107 = vector.extract_strided_slice %div3A_37 {offsets = [48, 0], sizes = [8, 160], strides = [1, 1]} : vector<192x160xf32> to vector<8x160xf32>
    %broadcast_in_dim3A_108 = vector.shape_cast %slice3A_107 : vector<8x160xf32> to vector<8x160x1xf32>
    %broadcast_in_dim3A_109 = vector.shape_cast %slice3A_107 : vector<8x160xf32> to vector<8x1x160xf32>
    %sub3A_110 = vector.broadcast %broadcast_in_dim3A_108 : vector<8x160x1xf32> to vector<8x160x160xf32>
    %sub3A_111 = vector.broadcast %broadcast_in_dim3A_109 : vector<8x1x160xf32> to vector<8x160x160xf32>
    %sub3A_112 = arith.subf %sub3A_110, %sub3A_111 : vector<8x160x160xf32>
    %abs3A_113 = math.absf %sub3A_112 : vector<8x160x160xf32>
    %reduce_sum3A_114 = arith.constant dense<0.000000e+00> : vector<160x160xf32>
    %reduce_sum3A_115 = vector.multi_reduction <add>, %abs3A_113, %reduce_sum3A_114 [0] : vector<8x160x160xf32> to vector<160x160xf32>
    %add3A_116 = arith.addf %add3A_106, %reduce_sum3A_115 : vector<160x160xf32>
    %slice3A_117 = vector.extract_strided_slice %div3A_37 {offsets = [56, 0], sizes = [8, 160], strides = [1, 1]} : vector<192x160xf32> to vector<8x160xf32>
    %broadcast_in_dim3A_118 = vector.shape_cast %slice3A_117 : vector<8x160xf32> to vector<8x160x1xf32>
    %broadcast_in_dim3A_119 = vector.shape_cast %slice3A_117 : vector<8x160xf32> to vector<8x1x160xf32>
    %sub3A_120 = vector.broadcast %broadcast_in_dim3A_118 : vector<8x160x1xf32> to vector<8x160x160xf32>
    %sub3A_121 = vector.broadcast %broadcast_in_dim3A_119 : vector<8x1x160xf32> to vector<8x160x160xf32>
    %sub3A_122 = arith.subf %sub3A_120, %sub3A_121 : vector<8x160x160xf32>
    %abs3A_123 = math.absf %sub3A_122 : vector<8x160x160xf32>
    %reduce_sum3A_124 = arith.constant dense<0.000000e+00> : vector<160x160xf32>
    %reduce_sum3A_125 = vector.multi_reduction <add>, %abs3A_123, %reduce_sum3A_124 [0] : vector<8x160x160xf32> to vector<160x160xf32>
    %add3A_126 = arith.addf %add3A_116, %reduce_sum3A_125 : vector<160x160xf32>
    %slice3A_127 = vector.extract_strided_slice %div3A_37 {offsets = [64, 0], sizes = [8, 160], strides = [1, 1]} : vector<192x160xf32> to vector<8x160xf32>
    %broadcast_in_dim3A_128 = vector.shape_cast %slice3A_127 : vector<8x160xf32> to vector<8x160x1xf32>
    %broadcast_in_dim3A_129 = vector.shape_cast %slice3A_127 : vector<8x160xf32> to vector<8x1x160xf32>
    %sub3A_130 = vector.broadcast %broadcast_in_dim3A_128 : vector<8x160x1xf32> to vector<8x160x160xf32>
    %sub3A_131 = vector.broadcast %broadcast_in_dim3A_129 : vector<8x1x160xf32> to vector<8x160x160xf32>
    %sub3A_132 = arith.subf %sub3A_130, %sub3A_131 : vector<8x160x160xf32>
    %abs3A_133 = math.absf %sub3A_132 : vector<8x160x160xf32>
    %reduce_sum3A_134 = arith.constant dense<0.000000e+00> : vector<160x160xf32>
    %reduce_sum3A_135 = vector.multi_reduction <add>, %abs3A_133, %reduce_sum3A_134 [0] : vector<8x160x160xf32> to vector<160x160xf32>
    %add3A_136 = arith.addf %add3A_126, %reduce_sum3A_135 : vector<160x160xf32>
    %slice3A_137 = vector.extract_strided_slice %div3A_37 {offsets = [72, 0], sizes = [8, 160], strides = [1, 1]} : vector<192x160xf32> to vector<8x160xf32>
    %broadcast_in_dim3A_138 = vector.shape_cast %slice3A_137 : vector<8x160xf32> to vector<8x160x1xf32>
    %broadcast_in_dim3A_139 = vector.shape_cast %slice3A_137 : vector<8x160xf32> to vector<8x1x160xf32>
    %sub3A_140 = vector.broadcast %broadcast_in_dim3A_138 : vector<8x160x1xf32> to vector<8x160x160xf32>
    %sub3A_141 = vector.broadcast %broadcast_in_dim3A_139 : vector<8x1x160xf32> to vector<8x160x160xf32>
    %sub3A_142 = arith.subf %sub3A_140, %sub3A_141 : vector<8x160x160xf32>
    %abs3A_143 = math.absf %sub3A_142 : vector<8x160x160xf32>
    %reduce_sum3A_144 = arith.constant dense<0.000000e+00> : vector<160x160xf32>
    %reduce_sum3A_145 = vector.multi_reduction <add>, %abs3A_143, %reduce_sum3A_144 [0] : vector<8x160x160xf32> to vector<160x160xf32>
    %add3A_146 = arith.addf %add3A_136, %reduce_sum3A_145 : vector<160x160xf32>
    %slice3A_147 = vector.extract_strided_slice %div3A_37 {offsets = [80, 0], sizes = [8, 160], strides = [1, 1]} : vector<192x160xf32> to vector<8x160xf32>
    %broadcast_in_dim3A_148 = vector.shape_cast %slice3A_147 : vector<8x160xf32> to vector<8x160x1xf32>
    %broadcast_in_dim3A_149 = vector.shape_cast %slice3A_147 : vector<8x160xf32> to vector<8x1x160xf32>
    %sub3A_150 = vector.broadcast %broadcast_in_dim3A_148 : vector<8x160x1xf32> to vector<8x160x160xf32>
    %sub3A_151 = vector.broadcast %broadcast_in_dim3A_149 : vector<8x1x160xf32> to vector<8x160x160xf32>
    %sub3A_152 = arith.subf %sub3A_150, %sub3A_151 : vector<8x160x160xf32>
    %abs3A_153 = math.absf %sub3A_152 : vector<8x160x160xf32>
    %reduce_sum3A_154 = arith.constant dense<0.000000e+00> : vector<160x160xf32>
    %reduce_sum3A_155 = vector.multi_reduction <add>, %abs3A_153, %reduce_sum3A_154 [0] : vector<8x160x160xf32> to vector<160x160xf32>
    %add3A_156 = arith.addf %add3A_146, %reduce_sum3A_155 : vector<160x160xf32>
    %slice3A_157 = vector.extract_strided_slice %div3A_37 {offsets = [88, 0], sizes = [8, 160], strides = [1, 1]} : vector<192x160xf32> to vector<8x160xf32>
    %broadcast_in_dim3A_158 = vector.shape_cast %slice3A_157 : vector<8x160xf32> to vector<8x160x1xf32>
    %broadcast_in_dim3A_159 = vector.shape_cast %slice3A_157 : vector<8x160xf32> to vector<8x1x160xf32>
    %sub3A_160 = vector.broadcast %broadcast_in_dim3A_158 : vector<8x160x1xf32> to vector<8x160x160xf32>
    %sub3A_161 = vector.broadcast %broadcast_in_dim3A_159 : vector<8x1x160xf32> to vector<8x160x160xf32>
    %sub3A_162 = arith.subf %sub3A_160, %sub3A_161 : vector<8x160x160xf32>
    %abs3A_163 = math.absf %sub3A_162 : vector<8x160x160xf32>
    %reduce_sum3A_164 = arith.constant dense<0.000000e+00> : vector<160x160xf32>
    %reduce_sum3A_165 = vector.multi_reduction <add>, %abs3A_163, %reduce_sum3A_164 [0] : vector<8x160x160xf32> to vector<160x160xf32>
    %add3A_166 = arith.addf %add3A_156, %reduce_sum3A_165 : vector<160x160xf32>
    %slice3A_167 = vector.extract_strided_slice %div3A_37 {offsets = [96, 0], sizes = [8, 160], strides = [1, 1]} : vector<192x160xf32> to vector<8x160xf32>
    %broadcast_in_dim3A_168 = vector.shape_cast %slice3A_167 : vector<8x160xf32> to vector<8x160x1xf32>
    %broadcast_in_dim3A_169 = vector.shape_cast %slice3A_167 : vector<8x160xf32> to vector<8x1x160xf32>
    %sub3A_170 = vector.broadcast %broadcast_in_dim3A_168 : vector<8x160x1xf32> to vector<8x160x160xf32>
    %sub3A_171 = vector.broadcast %broadcast_in_dim3A_169 : vector<8x1x160xf32> to vector<8x160x160xf32>
    %sub3A_172 = arith.subf %sub3A_170, %sub3A_171 : vector<8x160x160xf32>
    %abs3A_173 = math.absf %sub3A_172 : vector<8x160x160xf32>
    %reduce_sum3A_174 = arith.constant dense<0.000000e+00> : vector<160x160xf32>
    %reduce_sum3A_175 = vector.multi_reduction <add>, %abs3A_173, %reduce_sum3A_174 [0] : vector<8x160x160xf32> to vector<160x160xf32>
    %add3A_176 = arith.addf %add3A_166, %reduce_sum3A_175 : vector<160x160xf32>
    %slice3A_177 = vector.extract_strided_slice %div3A_37 {offsets = [104, 0], sizes = [8, 160], strides = [1, 1]} : vector<192x160xf32> to vector<8x160xf32>
    %broadcast_in_dim3A_178 = vector.shape_cast %slice3A_177 : vector<8x160xf32> to vector<8x160x1xf32>
    %broadcast_in_dim3A_179 = vector.shape_cast %slice3A_177 : vector<8x160xf32> to vector<8x1x160xf32>
    %sub3A_180 = vector.broadcast %broadcast_in_dim3A_178 : vector<8x160x1xf32> to vector<8x160x160xf32>
    %sub3A_181 = vector.broadcast %broadcast_in_dim3A_179 : vector<8x1x160xf32> to vector<8x160x160xf32>
    %sub3A_182 = arith.subf %sub3A_180, %sub3A_181 : vector<8x160x160xf32>
    %abs3A_183 = math.absf %sub3A_182 : vector<8x160x160xf32>
    %reduce_sum3A_184 = arith.constant dense<0.000000e+00> : vector<160x160xf32>
    %reduce_sum3A_185 = vector.multi_reduction <add>, %abs3A_183, %reduce_sum3A_184 [0] : vector<8x160x160xf32> to vector<160x160xf32>
    %add3A_186 = arith.addf %add3A_176, %reduce_sum3A_185 : vector<160x160xf32>
    %slice3A_187 = vector.extract_strided_slice %div3A_37 {offsets = [112, 0], sizes = [8, 160], strides = [1, 1]} : vector<192x160xf32> to vector<8x160xf32>
    %broadcast_in_dim3A_188 = vector.shape_cast %slice3A_187 : vector<8x160xf32> to vector<8x160x1xf32>
    %broadcast_in_dim3A_189 = vector.shape_cast %slice3A_187 : vector<8x160xf32> to vector<8x1x160xf32>
    %sub3A_190 = vector.broadcast %broadcast_in_dim3A_188 : vector<8x160x1xf32> to vector<8x160x160xf32>
    %sub3A_191 = vector.broadcast %broadcast_in_dim3A_189 : vector<8x1x160xf32> to vector<8x160x160xf32>
    %sub3A_192 = arith.subf %sub3A_190, %sub3A_191 : vector<8x160x160xf32>
    %abs3A_193 = math.absf %sub3A_192 : vector<8x160x160xf32>
    %reduce_sum3A_194 = arith.constant dense<0.000000e+00> : vector<160x160xf32>
    %reduce_sum3A_195 = vector.multi_reduction <add>, %abs3A_193, %reduce_sum3A_194 [0] : vector<8x160x160xf32> to vector<160x160xf32>
    %add3A_196 = arith.addf %add3A_186, %reduce_sum3A_195 : vector<160x160xf32>
    %slice3A_197 = vector.extract_strided_slice %div3A_37 {offsets = [120, 0], sizes = [8, 160], strides = [1, 1]} : vector<192x160xf32> to vector<8x160xf32>
    %broadcast_in_dim3A_198 = vector.shape_cast %slice3A_197 : vector<8x160xf32> to vector<8x160x1xf32>
    %broadcast_in_dim3A_199 = vector.shape_cast %slice3A_197 : vector<8x160xf32> to vector<8x1x160xf32>
    %sub3A_200 = vector.broadcast %broadcast_in_dim3A_198 : vector<8x160x1xf32> to vector<8x160x160xf32>
    %sub3A_201 = vector.broadcast %broadcast_in_dim3A_199 : vector<8x1x160xf32> to vector<8x160x160xf32>
    %sub3A_202 = arith.subf %sub3A_200, %sub3A_201 : vector<8x160x160xf32>
    %abs3A_203 = math.absf %sub3A_202 : vector<8x160x160xf32>
    %reduce_sum3A_204 = arith.constant dense<0.000000e+00> : vector<160x160xf32>
    %reduce_sum3A_205 = vector.multi_reduction <add>, %abs3A_203, %reduce_sum3A_204 [0] : vector<8x160x160xf32> to vector<160x160xf32>
    %add3A_206 = arith.addf %add3A_196, %reduce_sum3A_205 : vector<160x160xf32>
    %slice3A_207 = vector.extract_strided_slice %div3A_37 {offsets = [128, 0], sizes = [8, 160], strides = [1, 1]} : vector<192x160xf32> to vector<8x160xf32>
    %broadcast_in_dim3A_208 = vector.shape_cast %slice3A_207 : vector<8x160xf32> to vector<8x160x1xf32>
    %broadcast_in_dim3A_209 = vector.shape_cast %slice3A_207 : vector<8x160xf32> to vector<8x1x160xf32>
    %sub3A_210 = vector.broadcast %broadcast_in_dim3A_208 : vector<8x160x1xf32> to vector<8x160x160xf32>
    %sub3A_211 = vector.broadcast %broadcast_in_dim3A_209 : vector<8x1x160xf32> to vector<8x160x160xf32>
    %sub3A_212 = arith.subf %sub3A_210, %sub3A_211 : vector<8x160x160xf32>
    %abs3A_213 = math.absf %sub3A_212 : vector<8x160x160xf32>
    %reduce_sum3A_214 = arith.constant dense<0.000000e+00> : vector<160x160xf32>
    %reduce_sum3A_215 = vector.multi_reduction <add>, %abs3A_213, %reduce_sum3A_214 [0] : vector<8x160x160xf32> to vector<160x160xf32>
    %add3A_216 = arith.addf %add3A_206, %reduce_sum3A_215 : vector<160x160xf32>
    %slice3A_217 = vector.extract_strided_slice %div3A_37 {offsets = [136, 0], sizes = [8, 160], strides = [1, 1]} : vector<192x160xf32> to vector<8x160xf32>
    %broadcast_in_dim3A_218 = vector.shape_cast %slice3A_217 : vector<8x160xf32> to vector<8x160x1xf32>
    %broadcast_in_dim3A_219 = vector.shape_cast %slice3A_217 : vector<8x160xf32> to vector<8x1x160xf32>
    %sub3A_220 = vector.broadcast %broadcast_in_dim3A_218 : vector<8x160x1xf32> to vector<8x160x160xf32>
    %sub3A_221 = vector.broadcast %broadcast_in_dim3A_219 : vector<8x1x160xf32> to vector<8x160x160xf32>
    %sub3A_222 = arith.subf %sub3A_220, %sub3A_221 : vector<8x160x160xf32>
    %abs3A_223 = math.absf %sub3A_222 : vector<8x160x160xf32>
    %reduce_sum3A_224 = arith.constant dense<0.000000e+00> : vector<160x160xf32>
    %reduce_sum3A_225 = vector.multi_reduction <add>, %abs3A_223, %reduce_sum3A_224 [0] : vector<8x160x160xf32> to vector<160x160xf32>
    %add3A_226 = arith.addf %add3A_216, %reduce_sum3A_225 : vector<160x160xf32>
    %slice3A_227 = vector.extract_strided_slice %div3A_37 {offsets = [144, 0], sizes = [8, 160], strides = [1, 1]} : vector<192x160xf32> to vector<8x160xf32>
    %broadcast_in_dim3A_228 = vector.shape_cast %slice3A_227 : vector<8x160xf32> to vector<8x160x1xf32>
    %broadcast_in_dim3A_229 = vector.shape_cast %slice3A_227 : vector<8x160xf32> to vector<8x1x160xf32>
    %sub3A_230 = vector.broadcast %broadcast_in_dim3A_228 : vector<8x160x1xf32> to vector<8x160x160xf32>
    %sub3A_231 = vector.broadcast %broadcast_in_dim3A_229 : vector<8x1x160xf32> to vector<8x160x160xf32>
    %sub3A_232 = arith.subf %sub3A_230, %sub3A_231 : vector<8x160x160xf32>
    %abs3A_233 = math.absf %sub3A_232 : vector<8x160x160xf32>
    %reduce_sum3A_234 = arith.constant dense<0.000000e+00> : vector<160x160xf32>
    %reduce_sum3A_235 = vector.multi_reduction <add>, %abs3A_233, %reduce_sum3A_234 [0] : vector<8x160x160xf32> to vector<160x160xf32>
    %add3A_236 = arith.addf %add3A_226, %reduce_sum3A_235 : vector<160x160xf32>
    %slice3A_237 = vector.extract_strided_slice %div3A_37 {offsets = [152, 0], sizes = [8, 160], strides = [1, 1]} : vector<192x160xf32> to vector<8x160xf32>
    %broadcast_in_dim3A_238 = vector.shape_cast %slice3A_237 : vector<8x160xf32> to vector<8x160x1xf32>
    %broadcast_in_dim3A_239 = vector.shape_cast %slice3A_237 : vector<8x160xf32> to vector<8x1x160xf32>
    %sub3A_240 = vector.broadcast %broadcast_in_dim3A_238 : vector<8x160x1xf32> to vector<8x160x160xf32>
    %sub3A_241 = vector.broadcast %broadcast_in_dim3A_239 : vector<8x1x160xf32> to vector<8x160x160xf32>
    %sub3A_242 = arith.subf %sub3A_240, %sub3A_241 : vector<8x160x160xf32>
    %abs3A_243 = math.absf %sub3A_242 : vector<8x160x160xf32>
    %reduce_sum3A_244 = arith.constant dense<0.000000e+00> : vector<160x160xf32>
    %reduce_sum3A_245 = vector.multi_reduction <add>, %abs3A_243, %reduce_sum3A_244 [0] : vector<8x160x160xf32> to vector<160x160xf32>
    %add3A_246 = arith.addf %add3A_236, %reduce_sum3A_245 : vector<160x160xf32>
    %slice3A_247 = vector.extract_strided_slice %div3A_37 {offsets = [160, 0], sizes = [8, 160], strides = [1, 1]} : vector<192x160xf32> to vector<8x160xf32>
    %broadcast_in_dim3A_248 = vector.shape_cast %slice3A_247 : vector<8x160xf32> to vector<8x160x1xf32>
    %broadcast_in_dim3A_249 = vector.shape_cast %slice3A_247 : vector<8x160xf32> to vector<8x1x160xf32>
    %sub3A_250 = vector.broadcast %broadcast_in_dim3A_248 : vector<8x160x1xf32> to vector<8x160x160xf32>
    %sub3A_251 = vector.broadcast %broadcast_in_dim3A_249 : vector<8x1x160xf32> to vector<8x160x160xf32>
    %sub3A_252 = arith.subf %sub3A_250, %sub3A_251 : vector<8x160x160xf32>
    %abs3A_253 = math.absf %sub3A_252 : vector<8x160x160xf32>
    %reduce_sum3A_254 = arith.constant dense<0.000000e+00> : vector<160x160xf32>
    %reduce_sum3A_255 = vector.multi_reduction <add>, %abs3A_253, %reduce_sum3A_254 [0] : vector<8x160x160xf32> to vector<160x160xf32>
    %add3A_256 = arith.addf %add3A_246, %reduce_sum3A_255 : vector<160x160xf32>
    %slice3A_257 = vector.extract_strided_slice %div3A_37 {offsets = [168, 0], sizes = [8, 160], strides = [1, 1]} : vector<192x160xf32> to vector<8x160xf32>
    %broadcast_in_dim3A_258 = vector.shape_cast %slice3A_257 : vector<8x160xf32> to vector<8x160x1xf32>
    %broadcast_in_dim3A_259 = vector.shape_cast %slice3A_257 : vector<8x160xf32> to vector<8x1x160xf32>
    %sub3A_260 = vector.broadcast %broadcast_in_dim3A_258 : vector<8x160x1xf32> to vector<8x160x160xf32>
    %sub3A_261 = vector.broadcast %broadcast_in_dim3A_259 : vector<8x1x160xf32> to vector<8x160x160xf32>
    %sub3A_262 = arith.subf %sub3A_260, %sub3A_261 : vector<8x160x160xf32>
    %abs3A_263 = math.absf %sub3A_262 : vector<8x160x160xf32>
    %reduce_sum3A_264 = arith.constant dense<0.000000e+00> : vector<160x160xf32>
    %reduce_sum3A_265 = vector.multi_reduction <add>, %abs3A_263, %reduce_sum3A_264 [0] : vector<8x160x160xf32> to vector<160x160xf32>
    %add3A_266 = arith.addf %add3A_256, %reduce_sum3A_265 : vector<160x160xf32>
    %slice3A_267 = vector.extract_strided_slice %div3A_37 {offsets = [176, 0], sizes = [8, 160], strides = [1, 1]} : vector<192x160xf32> to vector<8x160xf32>
    %broadcast_in_dim3A_268 = vector.shape_cast %slice3A_267 : vector<8x160xf32> to vector<8x160x1xf32>
    %broadcast_in_dim3A_269 = vector.shape_cast %slice3A_267 : vector<8x160xf32> to vector<8x1x160xf32>
    %sub3A_270 = vector.broadcast %broadcast_in_dim3A_268 : vector<8x160x1xf32> to vector<8x160x160xf32>
    %sub3A_271 = vector.broadcast %broadcast_in_dim3A_269 : vector<8x1x160xf32> to vector<8x160x160xf32>
    %sub3A_272 = arith.subf %sub3A_270, %sub3A_271 : vector<8x160x160xf32>
    %abs3A_273 = math.absf %sub3A_272 : vector<8x160x160xf32>
    %reduce_sum3A_274 = arith.constant dense<0.000000e+00> : vector<160x160xf32>
    %reduce_sum3A_275 = vector.multi_reduction <add>, %abs3A_273, %reduce_sum3A_274 [0] : vector<8x160x160xf32> to vector<160x160xf32>
    %add3A_276 = arith.addf %add3A_266, %reduce_sum3A_275 : vector<160x160xf32>
    %slice3A_277 = vector.extract_strided_slice %div3A_37 {offsets = [184, 0], sizes = [8, 160], strides = [1, 1]} : vector<192x160xf32> to vector<8x160xf32>
    %broadcast_in_dim3A_278 = vector.shape_cast %slice3A_277 : vector<8x160xf32> to vector<8x160x1xf32>
    %broadcast_in_dim3A_279 = vector.shape_cast %slice3A_277 : vector<8x160xf32> to vector<8x1x160xf32>
    %sub3A_280 = vector.broadcast %broadcast_in_dim3A_278 : vector<8x160x1xf32> to vector<8x160x160xf32>
    %sub3A_281 = vector.broadcast %broadcast_in_dim3A_279 : vector<8x1x160xf32> to vector<8x160x160xf32>
    %sub3A_282 = arith.subf %sub3A_280, %sub3A_281 : vector<8x160x160xf32>
    %abs3A_283 = math.absf %sub3A_282 : vector<8x160x160xf32>
    %reduce_sum3A_284 = arith.constant dense<0.000000e+00> : vector<160x160xf32>
    %reduce_sum3A_285 = vector.multi_reduction <add>, %abs3A_283, %reduce_sum3A_284 [0] : vector<8x160x160xf32> to vector<160x160xf32>
    %add3A_286 = arith.addf %add3A_276, %reduce_sum3A_285 : vector<160x160xf32>
    %mul3A_287 = arith.constant 0.00520833349 : f32
    %mul3A_288 = vector.broadcast %mul3A_287 : f32 to vector<160x160xf32>
    %mul3A_289 = arith.mulf %add3A_286, %mul3A_288 : vector<160x160xf32>
    %jit3A_290 = arith.constant -1 : i64
    %convert_element_type3A_291 = arith.trunci %jit3A_290 : i64 to i32
    %broadcast_in_dim3A_292 = vector.broadcast %convert_element_type3A_291 : i32 to vector<1x160xi32>
    %select_n3A_293 = arith.select %gt3A_40, %iota3A_1, %broadcast_in_dim3A_292 : vector<1x160xi1>, vector<1x160xi32>
    %reduce_max3A_294 = vector.shape_cast %select_n3A_293 : vector<1x160xi32> to vector<1x1x160xi32>
    %reduce_max3A_295 = arith.constant dense<-2147483648> : vector<1xi32>
    %reduce_max3A_296 = vector.multi_reduction <maxsi>, %reduce_max3A_294, %reduce_max3A_295 [1, 2] : vector<1x1x160xi32> to vector<1xi32>
    %reduce_max3A_297 = vector.shape_cast %reduce_max3A_296 : vector<1xi32> to vector<1x1x1xi32>
    %reduce_max3A_298 = vector.extract %reduce_max3A_297[0, 0, 0] : i32 from vector<1x1x1xi32>
    %eq3A_299 = vector.broadcast %reduce_max3A_298 : i32 to vector<1x160xi32>
    %eq3A_300 = arith.cmpi eq, %iota3A_1, %eq3A_299 : vector<1x160xi32>
    %jit3A_301 = arith.constant -1 : i64
    %convert_element_type3A_302 = arith.trunci %jit3A_301 : i64 to i32
    %broadcast_in_dim3A_303 = vector.broadcast %convert_element_type3A_302 : i32 to vector<1x160xi32>
    %select_n3A_304 = arith.select %eq3A_300, %broadcast_in_dim3A_303, %select_n3A_293 : vector<1x160xi1>, vector<1x160xi32>
    %reduce_max3A_305 = vector.shape_cast %select_n3A_304 : vector<1x160xi32> to vector<1x1x160xi32>
    %reduce_max3A_306 = arith.constant dense<-2147483648> : vector<1xi32>
    %reduce_max3A_307 = vector.multi_reduction <maxsi>, %reduce_max3A_305, %reduce_max3A_306 [1, 2] : vector<1x1x160xi32> to vector<1xi32>
    %reduce_max3A_308 = vector.shape_cast %reduce_max3A_307 : vector<1xi32> to vector<1x1x1xi32>
    %reduce_max3A_309 = vector.extract %reduce_max3A_308[0, 0, 0] : i32 from vector<1x1x1xi32>
    %convert_element_type3A_310 = arith.sitofp %max3A_21 : i32 to f32
    %convert_element_type3A_311 = arith.sitofp %iota3A_1 : vector<1x160xi32> to vector<1x160xf32>
    %sub3A_312 = arith.constant 1.000000e+00 : f32
    %sub3A_313 = vector.broadcast %sub3A_312 : f32 to vector<1x160xf32>
    %sub3A_314 = arith.subf %convert_element_type3A_311, %sub3A_313 : vector<1x160xf32>
    %div3A_315 = vector.broadcast %convert_element_type3A_310 : f32 to vector<1x160xf32>
    %div3A_316 = arith.divf %sub3A_314, %div3A_315 : vector<1x160xf32>
    %floor3A = math.floor %div3A_316 : vector<1x160xf32>
    %eq3A_317 = vector.broadcast %reduce_max3A_298 : i32 to vector<1x160xi32>
    %eq3A_318 = arith.cmpi eq, %iota3A_1, %eq3A_317 : vector<1x160xi32>
    %convert_element_type3A_319 = arith.sitofp %reduce_max3A_309 : i32 to f32
    %sub3A_320 = arith.constant 1.000000e+00 : f32
    %sub3A_321 = arith.subf %convert_element_type3A_319, %sub3A_320 : f32
    %div3A_322 = arith.divf %sub3A_321, %convert_element_type3A_310 : f32
    %floor3A_323 = math.floor %div3A_322 : f32
    %broadcast_in_dim3A_324 = vector.broadcast %floor3A_323 : f32 to vector<1x160xf32>
    %select_n3A_325 = arith.select %eq3A_318, %broadcast_in_dim3A_324, %floor3A : vector<1x160xi1>, vector<1x160xf32>
    %ge3A = arith.constant 2.000000e+00 : f32
    %ge3A_326 = vector.broadcast %ge3A : f32 to vector<1x160xf32>
    %ge3A_327 = arith.cmpf oge, %dot_general3A_31, %ge3A_326 : vector<1x160xf32>
    %and3A_328 = arith.andi %gt3A_40, %ge3A_327 : vector<1x160xi1>
    %ge3A_329 = arith.constant 1 : i32
    %ge3A_330 = vector.broadcast %ge3A_329 : i32 to vector<1x160xi32>
    %ge3A_331 = arith.cmpi sge, %iota3A_1, %ge3A_330 : vector<1x160xi32>
    %and3A_332 = arith.andi %and3A_328, %ge3A_331 : vector<1x160xi1>
    %jit3A_333 = arith.constant -1 : i64
    %convert_element_type3A_334 = arith.trunci %jit3A_333 : i64 to i32
    %broadcast_in_dim3A_335 = vector.broadcast %convert_element_type3A_334 : i32 to vector<1x160xi32>
    %select_n3A_336 = arith.select %and3A_332, %iota3A_1, %broadcast_in_dim3A_335 : vector<1x160xi1>, vector<1x160xi32>
    %broadcast_in_dim3A_337 = vector.shape_cast %select_n3A_336 : vector<1x160xi32> to vector<1x160xi32>
    %broadcast_in_dim3A_338 = vector.broadcast %broadcast_in_dim3A_337 : vector<1x160xi32> to vector<160x160xi32>
    %jit3A_339 = arith.constant 0 : i64
    %convert_element_type3A_340 = arith.trunci %jit3A_339 : i64 to i32
    %broadcast_in_dim3A_341 = vector.broadcast %convert_element_type3A_340 : i32 to vector<160x160xi32>
    %select_n3A_342 = arith.select %eq3A, %broadcast_in_dim3A_338, %broadcast_in_dim3A_341 : vector<160x160xi1>, vector<160x160xi32>
    %reduce_sum3A_343 = arith.constant dense<0> : vector<160xi32>
    %reduce_sum3A_344 = vector.multi_reduction <add>, %select_n3A_342, %reduce_sum3A_343 [1] : vector<160x160xi32> to vector<160xi32>
    %broadcast_in_dim3A_345 = vector.shape_cast %reduce_sum3A_344 : vector<160xi32> to vector<160x1xi32>
    %lt3A = arith.cmpi slt, %iota3A, %iota3A_0 : vector<160x160xi32>
    %broadcast_in_dim3A_346 = vector.shape_cast %broadcast_in_dim3A_345 : vector<160x1xi32> to vector<160x1xi32>
    %broadcast_in_dim3A_347 = vector.broadcast %broadcast_in_dim3A_346 : vector<160x1xi32> to vector<160x160xi32>
    %jit3A_348 = arith.constant -1 : i64
    %convert_element_type3A_349 = arith.trunci %jit3A_348 : i64 to i32
    %broadcast_in_dim3A_350 = vector.broadcast %convert_element_type3A_349 : i32 to vector<160x160xi32>
    %select_n3A_351 = arith.select %lt3A, %broadcast_in_dim3A_347, %broadcast_in_dim3A_350 : vector<160x160xi1>, vector<160x160xi32>
    %reduce_max3A_352 = arith.constant dense<-2147483648> : vector<160xi32>
    %reduce_max3A_353 = vector.multi_reduction <maxsi>, %select_n3A_351, %reduce_max3A_352 [0] : vector<160x160xi32> to vector<160xi32>
    %broadcast_in_dim3A_354 = vector.shape_cast %reduce_max3A_353 : vector<160xi32> to vector<1x160xi32>
    %max3A_355 = arith.constant 0 : i32
    %max3A_356 = vector.broadcast %max3A_355 : i32 to vector<1x160xi32>
    %max3A_357 = arith.maxsi %broadcast_in_dim3A_354, %max3A_356 : vector<1x160xi32>
    %broadcast_in_dim3A_358 = vector.shape_cast %select_n3A_325 : vector<1x160xf32> to vector<1x160xf32>
    %broadcast_in_dim3A_359 = vector.broadcast %broadcast_in_dim3A_358 : vector<1x160xf32> to vector<160x160xf32>
    %jit3A_360 = arith.constant 0.000000e+00 : f32
    %broadcast_in_dim3A_361 = vector.broadcast %jit3A_360 : f32 to vector<160x160xf32>
    %select_n3A_362 = arith.select %eq3A, %broadcast_in_dim3A_359, %broadcast_in_dim3A_361 : vector<160x160xi1>, vector<160x160xf32>
    %reduce_sum3A_363 = arith.constant dense<0.000000e+00> : vector<160xf32>
    %reduce_sum3A_364 = vector.multi_reduction <add>, %select_n3A_362, %reduce_sum3A_363 [1] : vector<160x160xf32> to vector<160xf32>
    %broadcast_in_dim3A_365 = vector.shape_cast %reduce_sum3A_364 : vector<160xf32> to vector<160x1xf32>
    %broadcast_in_dim3A_366 = vector.shape_cast %max3A_357 : vector<1x160xi32> to vector<1x160xi32>
    %broadcast_in_dim3A_367 = vector.broadcast %broadcast_in_dim3A_366 : vector<1x160xi32> to vector<160x160xi32>
    %eq3A_368 = arith.cmpi eq, %iota3A, %broadcast_in_dim3A_367 : vector<160x160xi32>
    %broadcast_in_dim3A_369 = vector.shape_cast %broadcast_in_dim3A_365 : vector<160x1xf32> to vector<160x1xf32>
    %broadcast_in_dim3A_370 = vector.broadcast %broadcast_in_dim3A_369 : vector<160x1xf32> to vector<160x160xf32>
    %jit3A_371 = arith.constant 0.000000e+00 : f64
    %convert_element_type3A_372 = arith.truncf %jit3A_371 : f64 to f32
    %broadcast_in_dim3A_373 = vector.broadcast %convert_element_type3A_372 : f32 to vector<160x160xf32>
    %select_n3A_374 = arith.select %eq3A_368, %broadcast_in_dim3A_370, %broadcast_in_dim3A_373 : vector<160x160xi1>, vector<160x160xf32>
    %reduce_sum3A_375 = arith.constant dense<0.000000e+00> : vector<160xf32>
    %reduce_sum3A_376 = vector.multi_reduction <add>, %select_n3A_374, %reduce_sum3A_375 [0] : vector<160x160xf32> to vector<160xf32>
    %broadcast_in_dim3A_377 = vector.shape_cast %reduce_sum3A_376 : vector<160xf32> to vector<1x160xf32>
    %lt3A_378 = arith.constant 0 : i32
    %lt3A_379 = vector.broadcast %lt3A_378 : i32 to vector<1x160xi32>
    %lt3A_380 = arith.cmpi slt, %broadcast_in_dim3A_354, %lt3A_379 : vector<1x160xi32>
    %jit3A_381 = arith.constant -1.000000e+09 : f32
    %broadcast_in_dim3A_382 = vector.broadcast %jit3A_381 : f32 to vector<1x160xf32>
    %select_n3A_383 = arith.select %lt3A_380, %broadcast_in_dim3A_382, %broadcast_in_dim3A_377 : vector<1x160xi1>, vector<1x160xf32>
    %ne3A = arith.cmpf one, %select_n3A_325, %select_n3A_383 : vector<1x160xf32>
    %and3A_384 = arith.andi %and3A_332, %ne3A : vector<1x160xi1>
    %convert_element_type3A_385 = arith.extui %and3A_384 : vector<1x160xi1> to vector<1x160xi32>
    %convert_element_type3A_386 = arith.sitofp %convert_element_type3A_385 : vector<1x160xi32> to vector<1x160xf32>
    %broadcast_in_dim3A_387 = vector.shape_cast %convert_element_type3A_386 : vector<1x160xf32> to vector<1x160xf32>
    %broadcast_in_dim3A_388 = vector.broadcast %broadcast_in_dim3A_387 : vector<1x160xf32> to vector<160x160xf32>
    %jit3A_389 = arith.constant 0.000000e+00 : f32
    %broadcast_in_dim3A_390 = vector.broadcast %jit3A_389 : f32 to vector<160x160xf32>
    %select_n3A_391 = arith.select %eq3A, %broadcast_in_dim3A_388, %broadcast_in_dim3A_390 : vector<160x160xi1>, vector<160x160xf32>
    %reduce_sum3A_392 = arith.constant dense<0.000000e+00> : vector<160xf32>
    %reduce_sum3A_393 = vector.multi_reduction <add>, %select_n3A_391, %reduce_sum3A_392 [1] : vector<160x160xf32> to vector<160xf32>
    %broadcast_in_dim3A_394 = vector.shape_cast %reduce_sum3A_393 : vector<160xf32> to vector<160x1xf32>
    %le3A = arith.cmpi sle, %iota3A, %iota3A_0 : vector<160x160xi32>
    %broadcast_in_dim3A_395 = vector.shape_cast %broadcast_in_dim3A_394 : vector<160x1xf32> to vector<160x1xf32>
    %broadcast_in_dim3A_396 = vector.broadcast %broadcast_in_dim3A_395 : vector<160x1xf32> to vector<160x160xf32>
    %jit3A_397 = arith.constant 0.000000e+00 : f64
    %convert_element_type3A_398 = arith.truncf %jit3A_397 : f64 to f32
    %broadcast_in_dim3A_399 = vector.broadcast %convert_element_type3A_398 : f32 to vector<160x160xf32>
    %select_n3A_400 = arith.select %le3A, %broadcast_in_dim3A_396, %broadcast_in_dim3A_399 : vector<160x160xi1>, vector<160x160xf32>
    %reduce_sum3A_401 = arith.constant dense<0.000000e+00> : vector<160xf32>
    %reduce_sum3A_402 = vector.multi_reduction <add>, %select_n3A_400, %reduce_sum3A_401 [0] : vector<160x160xf32> to vector<160xf32>
    %broadcast_in_dim3A_403 = vector.shape_cast %reduce_sum3A_402 : vector<160xf32> to vector<1x160xf32>
    %sub3A_404 = arith.constant 1.000000e+00 : f32
    %sub3A_405 = vector.broadcast %sub3A_404 : f32 to vector<1x160xf32>
    %sub3A_406 = arith.subf %broadcast_in_dim3A_403, %sub3A_405 : vector<1x160xf32>
    %jit3A_407 = arith.constant -1.000000e+00 : f32
    %broadcast_in_dim3A_408 = vector.broadcast %jit3A_407 : f32 to vector<1x160xf32>
    %select_n3A_409 = arith.select %and3A_332, %sub3A_406, %broadcast_in_dim3A_408 : vector<1x160xi1>, vector<1x160xf32>
    %convert_element_type3A_410 = arith.sitofp %iota3A : vector<160x160xi32> to vector<160x160xf32>
    %broadcast_in_dim3A_411 = vector.shape_cast %select_n3A_409 : vector<1x160xf32> to vector<1x160xf32>
    %broadcast_in_dim3A_412 = vector.broadcast %broadcast_in_dim3A_411 : vector<1x160xf32> to vector<160x160xf32>
    %eq3A_413 = arith.cmpf oeq, %convert_element_type3A_410, %broadcast_in_dim3A_412 : vector<160x160xf32>
    %convert_element_type3A_414 = arith.extui %eq3A_413 : vector<160x160xi1> to vector<160x160xi32>
    %convert_element_type3A_415 = arith.sitofp %convert_element_type3A_414 : vector<160x160xi32> to vector<160x160xf32>
    %reduce_sum3A_416 = arith.constant dense<0.000000e+00> : vector<160xf32>
    %reduce_sum3A_417 = vector.multi_reduction <add>, %convert_element_type3A_415, %reduce_sum3A_416 [1] : vector<160x160xf32> to vector<160xf32>
    %broadcast_in_dim3A_418 = vector.shape_cast %reduce_sum3A_417 : vector<160xf32> to vector<160x1xf32>
    %dot_general3A_419 = arith.constant dense<0.000000e+00> : vector<160x160xf32>
    %dot_general3A_420 = tpu.matmul %convert_element_type3A_415, %mul3A_289, %dot_general3A_419 {dimension_numbers = #tpu.dot_dimension_numbers<[1], [0], [0], [1], [0, 0, 1, 1], [], []>, transpose_lhs_hint = false} : vector<160x160xf32>, vector<160x160xf32>, vector<160x160xf32> -> vector<160x160xf32>
    %mul3A_421 = arith.mulf %dot_general3A_420, %convert_element_type3A_415 : vector<160x160xf32>
    %reduce_sum3A_422 = arith.constant dense<0.000000e+00> : vector<160xf32>
    %reduce_sum3A_423 = vector.multi_reduction <add>, %mul3A_421, %reduce_sum3A_422 [1] : vector<160x160xf32> to vector<160xf32>
    %broadcast_in_dim3A_424 = vector.shape_cast %reduce_sum3A_423 : vector<160xf32> to vector<160x1xf32>
    %max3A_425 = arith.constant 1.000000e+00 : f32
    %max3A_426 = vector.broadcast %max3A_425 : f32 to vector<160x1xf32>
    %max3A_427 = arith.maximumf %broadcast_in_dim3A_418, %max3A_426 : vector<160x1xf32>
    %integer_pow3A = arith.mulf %max3A_427, %max3A_427 : vector<160x1xf32>
    %div3A_428 = arith.divf %broadcast_in_dim3A_424, %integer_pow3A : vector<160x1xf32>
    %lt3A_429 = arith.constant 1.000000e+00 : f32
    %lt3A_430 = vector.broadcast %lt3A_429 : f32 to vector<160x1xf32>
    %lt3A_431 = arith.cmpf olt, %div3A_428, %lt3A_430 : vector<160x1xf32>
    %mul3A_432 = arith.constant 5.000000e-01 : f32
    %mul3A_433 = vector.broadcast %mul3A_432 : f32 to vector<160x1xf32>
    %mul3A_434 = arith.mulf %mul3A_433, %div3A_428 : vector<160x1xf32>
    %mul3A_435 = arith.mulf %mul3A_434, %div3A_428 : vector<160x1xf32>
    %sub3A_436 = arith.constant 5.000000e-01 : f32
    %sub3A_437 = vector.broadcast %sub3A_436 : f32 to vector<160x1xf32>
    %sub3A_438 = arith.subf %div3A_428, %sub3A_437 : vector<160x1xf32>
    %select_n3A_439 = arith.select %lt3A_431, %mul3A_435, %sub3A_438 : vector<160x1xi1>, vector<160x1xf32>
    %gt3A_440 = arith.constant 0.000000e+00 : f32
    %gt3A_441 = vector.broadcast %gt3A_440 : f32 to vector<160x1xf32>
    %gt3A_442 = arith.cmpf ogt, %broadcast_in_dim3A_418, %gt3A_441 : vector<160x1xf32>
    %gt3A_443 = arith.constant 1.000000e+00 : f32
    %gt3A_444 = arith.cmpf ogt, %reduce_sum3A_47, %gt3A_443 : f32
    %and3A_445 = vector.broadcast %gt3A_444 : i1 to vector<160x1xi1>
    %and3A_446 = arith.andi %gt3A_442, %and3A_445 : vector<160x1xi1>
    %jit3A_447 = arith.constant 0.000000e+00 : f64
    %convert_element_type3A_448 = arith.truncf %jit3A_447 : f64 to f32
    %broadcast_in_dim3A_449 = vector.broadcast %convert_element_type3A_448 : f32 to vector<160x1xf32>
    %select_n3A_450 = arith.select %and3A_446, %select_n3A_439, %broadcast_in_dim3A_449 : vector<160x1xi1>, vector<160x1xf32>
    %reduce_sum3A_451 = vector.shape_cast %select_n3A_450 : vector<160x1xf32> to vector<1x160x1xf32>
    %reduce_sum3A_452 = arith.constant dense<0.000000e+00> : vector<1xf32>
    %reduce_sum3A_453 = vector.multi_reduction <add>, %reduce_sum3A_451, %reduce_sum3A_452 [1, 2] : vector<1x160x1xf32> to vector<1xf32>
    %reduce_sum3A_454 = vector.shape_cast %reduce_sum3A_453 : vector<1xf32> to vector<1x1x1xf32>
    %reduce_sum3A_455 = vector.extract %reduce_sum3A_454[0, 0, 0] : f32 from vector<1x1x1xf32>
    %add3A_456 = arith.constant 0.000000e+00 : f32
    %add3A_457 = arith.addf %add3A_456, %reduce_sum3A_455 : f32
    %convert_element_type3A_458 = arith.extui %and3A_446 : vector<160x1xi1> to vector<160x1xi32>
    %convert_element_type3A_459 = arith.sitofp %convert_element_type3A_458 : vector<160x1xi32> to vector<160x1xf32>
    %reduce_sum3A_460 = vector.shape_cast %convert_element_type3A_459 : vector<160x1xf32> to vector<1x160x1xf32>
    %reduce_sum3A_461 = arith.constant dense<0.000000e+00> : vector<1xf32>
    %reduce_sum3A_462 = vector.multi_reduction <add>, %reduce_sum3A_460, %reduce_sum3A_461 [1, 2] : vector<1x160x1xf32> to vector<1xf32>
    %reduce_sum3A_463 = vector.shape_cast %reduce_sum3A_462 : vector<1xf32> to vector<1x1x1xf32>
    %reduce_sum3A_464 = vector.extract %reduce_sum3A_463[0, 0, 0] : f32 from vector<1x1x1xf32>
    %add3A_465 = arith.constant 0.000000e+00 : f32
    %add3A_466 = arith.addf %add3A_465, %reduce_sum3A_464 : f32
    %get3A_467 = arith.constant 1 : index
    %get3A_468 = arith.constant 0 : index
    %get3A_469 = arith.constant 0 : index
    %get3A_470 = vector.load %arg1[%get3A_467, %get3A_468, %get3A_469] : memref<2x16x160xf32, #tpu.memory_space<vmem>>, vector<1x16x160xf32>
    %get3A_471 = vector.shape_cast %get3A_470 : vector<1x16x160xf32> to vector<16x160xf32>
    %reduce_sum3A_472 = arith.constant dense<0.000000e+00> : vector<160xf32>
    %reduce_sum3A_473 = vector.multi_reduction <add>, %get3A_471, %reduce_sum3A_472 [0] : vector<16x160xf32> to vector<160xf32>
    %broadcast_in_dim3A_474 = vector.shape_cast %reduce_sum3A_473 : vector<160xf32> to vector<1x160xf32>
    %get3A_475 = arith.constant 1 : index
    %get3A_476 = arith.constant 0 : index
    %get3A_477 = arith.constant 0 : index
    %get3A_478 = vector.load %arg0[%get3A_475, %get3A_476, %get3A_477] : memref<2x192x160xf32, #tpu.memory_space<vmem>>, vector<1x192x160xf32>
    %get3A_479 = vector.shape_cast %get3A_478 : vector<1x192x160xf32> to vector<192x160xf32>
    %gt3A_480 = arith.constant 0.000000e+00 : f32
    %gt3A_481 = vector.broadcast %gt3A_480 : f32 to vector<1x160xf32>
    %gt3A_482 = arith.cmpf ogt, %broadcast_in_dim3A_474, %gt3A_481 : vector<1x160xf32>
    %and3A_483 = arith.constant 31 : i32
    %and3A_484 = vector.broadcast %and3A_483 : i32 to vector<1x160xi32>
    %and3A_485 = arith.andi %iota3A_1, %and3A_484 : vector<1x160xi32>
    %jit3A_486 = arith.constant 0 : i64
    %convert_element_type3A_487 = arith.trunci %jit3A_486 : i64 to i32
    %broadcast_in_dim3A_488 = vector.broadcast %convert_element_type3A_487 : i32 to vector<1x160xi32>
    %select_n3A_489 = arith.select %gt3A_482, %and3A_485, %broadcast_in_dim3A_488 : vector<1x160xi1>, vector<1x160xi32>
    %reduce_max3A_490 = vector.shape_cast %select_n3A_489 : vector<1x160xi32> to vector<1x1x160xi32>
    %reduce_max3A_491 = arith.constant dense<-2147483648> : vector<1xi32>
    %reduce_max3A_492 = vector.multi_reduction <maxsi>, %reduce_max3A_490, %reduce_max3A_491 [1, 2] : vector<1x1x160xi32> to vector<1xi32>
    %reduce_max3A_493 = vector.shape_cast %reduce_max3A_492 : vector<1xi32> to vector<1x1x1xi32>
    %reduce_max3A_494 = vector.extract %reduce_max3A_493[0, 0, 0] : i32 from vector<1x1x1xi32>
    %max3A_495 = arith.constant 1 : i32
    %max3A_496 = arith.maxsi %reduce_max3A_494, %max3A_495 : i32
    %shift_right_arithmetic3A_497 = arith.constant 5 : i32
    %shift_right_arithmetic3A_498 = vector.broadcast %shift_right_arithmetic3A_497 : i32 to vector<160x160xi32>
    %shift_right_arithmetic3A_499 = arith.shrsi %iota3A, %shift_right_arithmetic3A_498 : vector<160x160xi32>
    %mul3A_500 = vector.broadcast %reduce_max3A_494 : i32 to vector<160x160xi32>
    %mul3A_501 = arith.muli %mul3A_500, %shift_right_arithmetic3A_499 : vector<160x160xi32>
    %and3A_502 = arith.constant 31 : i32
    %and3A_503 = vector.broadcast %and3A_502 : i32 to vector<160x160xi32>
    %and3A_504 = arith.andi %iota3A, %and3A_503 : vector<160x160xi32>
    %add3A_505 = arith.addi %mul3A_501, %and3A_504 : vector<160x160xi32>
    %eq3A_506 = arith.cmpi eq, %add3A_505, %iota3A_0 : vector<160x160xi32>
    %convert_element_type3A_507 = arith.extui %eq3A_506 : vector<160x160xi1> to vector<160x160xi32>
    %convert_element_type3A_508 = arith.sitofp %convert_element_type3A_507 : vector<160x160xi32> to vector<160x160xf32>
    %dot_general3A_509 = arith.constant dense<0.000000e+00> : vector<1x160xf32>
    %dot_general3A_510 = tpu.matmul %broadcast_in_dim3A_474, %convert_element_type3A_508, %dot_general3A_509 {dimension_numbers = #tpu.dot_dimension_numbers<[1], [0], [0], [1], [0, 0, 1, 1], [], []>, transpose_lhs_hint = false} : vector<1x160xf32>, vector<160x160xf32>, vector<1x160xf32> -> vector<1x160xf32>
    %dot_general3A_511 = arith.constant dense<0.000000e+00> : vector<192x160xf32>
    %dot_general3A_512 = tpu.matmul %get3A_479, %convert_element_type3A_508, %dot_general3A_511 {dimension_numbers = #tpu.dot_dimension_numbers<[1], [0], [0], [1], [0, 0, 1, 1], [], []>, transpose_lhs_hint = false} : vector<192x160xf32>, vector<160x160xf32>, vector<192x160xf32> -> vector<192x160xf32>
    %max3A_513 = arith.constant 1.000000e+00 : f32
    %max3A_514 = vector.broadcast %max3A_513 : f32 to vector<1x160xf32>
    %max3A_515 = arith.maximumf %dot_general3A_510, %max3A_514 : vector<1x160xf32>
    %div3A_516 = vector.broadcast %max3A_515 : vector<1x160xf32> to vector<192x160xf32>
    %div3A_517 = arith.divf %dot_general3A_512, %div3A_516 : vector<192x160xf32>
    %gt3A_518 = arith.constant 0.000000e+00 : f32
    %gt3A_519 = vector.broadcast %gt3A_518 : f32 to vector<1x160xf32>
    %gt3A_520 = arith.cmpf ogt, %dot_general3A_510, %gt3A_519 : vector<1x160xf32>
    %convert_element_type3A_521 = arith.extui %gt3A_520 : vector<1x160xi1> to vector<1x160xi32>
    %convert_element_type3A_522 = arith.sitofp %convert_element_type3A_521 : vector<1x160xi32> to vector<1x160xf32>
    %reduce_sum3A_523 = vector.shape_cast %convert_element_type3A_522 : vector<1x160xf32> to vector<1x1x160xf32>
    %reduce_sum3A_524 = arith.constant dense<0.000000e+00> : vector<1xf32>
    %reduce_sum3A_525 = vector.multi_reduction <add>, %reduce_sum3A_523, %reduce_sum3A_524 [1, 2] : vector<1x1x160xf32> to vector<1xf32>
    %reduce_sum3A_526 = vector.shape_cast %reduce_sum3A_525 : vector<1xf32> to vector<1x1x1xf32>
    %reduce_sum3A_527 = vector.extract %reduce_sum3A_526[0, 0, 0] : f32 from vector<1x1x1xf32>
    %broadcast_in_dim3A_528 = arith.constant 0.000000e+00 : f32
    %broadcast_in_dim3A_529 = vector.broadcast %broadcast_in_dim3A_528 : f32 to vector<160x160xf32>
    %slice3A_530 = vector.extract_strided_slice %div3A_517 {offsets = [0, 0], sizes = [8, 160], strides = [1, 1]} : vector<192x160xf32> to vector<8x160xf32>
    %broadcast_in_dim3A_531 = vector.shape_cast %slice3A_530 : vector<8x160xf32> to vector<8x160x1xf32>
    %broadcast_in_dim3A_532 = vector.shape_cast %slice3A_530 : vector<8x160xf32> to vector<8x1x160xf32>
    %sub3A_533 = vector.broadcast %broadcast_in_dim3A_531 : vector<8x160x1xf32> to vector<8x160x160xf32>
    %sub3A_534 = vector.broadcast %broadcast_in_dim3A_532 : vector<8x1x160xf32> to vector<8x160x160xf32>
    %sub3A_535 = arith.subf %sub3A_533, %sub3A_534 : vector<8x160x160xf32>
    %abs3A_536 = math.absf %sub3A_535 : vector<8x160x160xf32>
    %reduce_sum3A_537 = arith.constant dense<0.000000e+00> : vector<160x160xf32>
    %reduce_sum3A_538 = vector.multi_reduction <add>, %abs3A_536, %reduce_sum3A_537 [0] : vector<8x160x160xf32> to vector<160x160xf32>
    %add3A_539 = arith.addf %broadcast_in_dim3A_529, %reduce_sum3A_538 : vector<160x160xf32>
    %slice3A_540 = vector.extract_strided_slice %div3A_517 {offsets = [8, 0], sizes = [8, 160], strides = [1, 1]} : vector<192x160xf32> to vector<8x160xf32>
    %broadcast_in_dim3A_541 = vector.shape_cast %slice3A_540 : vector<8x160xf32> to vector<8x160x1xf32>
    %broadcast_in_dim3A_542 = vector.shape_cast %slice3A_540 : vector<8x160xf32> to vector<8x1x160xf32>
    %sub3A_543 = vector.broadcast %broadcast_in_dim3A_541 : vector<8x160x1xf32> to vector<8x160x160xf32>
    %sub3A_544 = vector.broadcast %broadcast_in_dim3A_542 : vector<8x1x160xf32> to vector<8x160x160xf32>
    %sub3A_545 = arith.subf %sub3A_543, %sub3A_544 : vector<8x160x160xf32>
    %abs3A_546 = math.absf %sub3A_545 : vector<8x160x160xf32>
    %reduce_sum3A_547 = arith.constant dense<0.000000e+00> : vector<160x160xf32>
    %reduce_sum3A_548 = vector.multi_reduction <add>, %abs3A_546, %reduce_sum3A_547 [0] : vector<8x160x160xf32> to vector<160x160xf32>
    %add3A_549 = arith.addf %add3A_539, %reduce_sum3A_548 : vector<160x160xf32>
    %slice3A_550 = vector.extract_strided_slice %div3A_517 {offsets = [16, 0], sizes = [8, 160], strides = [1, 1]} : vector<192x160xf32> to vector<8x160xf32>
    %broadcast_in_dim3A_551 = vector.shape_cast %slice3A_550 : vector<8x160xf32> to vector<8x160x1xf32>
    %broadcast_in_dim3A_552 = vector.shape_cast %slice3A_550 : vector<8x160xf32> to vector<8x1x160xf32>
    %sub3A_553 = vector.broadcast %broadcast_in_dim3A_551 : vector<8x160x1xf32> to vector<8x160x160xf32>
    %sub3A_554 = vector.broadcast %broadcast_in_dim3A_552 : vector<8x1x160xf32> to vector<8x160x160xf32>
    %sub3A_555 = arith.subf %sub3A_553, %sub3A_554 : vector<8x160x160xf32>
    %abs3A_556 = math.absf %sub3A_555 : vector<8x160x160xf32>
    %reduce_sum3A_557 = arith.constant dense<0.000000e+00> : vector<160x160xf32>
    %reduce_sum3A_558 = vector.multi_reduction <add>, %abs3A_556, %reduce_sum3A_557 [0] : vector<8x160x160xf32> to vector<160x160xf32>
    %add3A_559 = arith.addf %add3A_549, %reduce_sum3A_558 : vector<160x160xf32>
    %slice3A_560 = vector.extract_strided_slice %div3A_517 {offsets = [24, 0], sizes = [8, 160], strides = [1, 1]} : vector<192x160xf32> to vector<8x160xf32>
    %broadcast_in_dim3A_561 = vector.shape_cast %slice3A_560 : vector<8x160xf32> to vector<8x160x1xf32>
    %broadcast_in_dim3A_562 = vector.shape_cast %slice3A_560 : vector<8x160xf32> to vector<8x1x160xf32>
    %sub3A_563 = vector.broadcast %broadcast_in_dim3A_561 : vector<8x160x1xf32> to vector<8x160x160xf32>
    %sub3A_564 = vector.broadcast %broadcast_in_dim3A_562 : vector<8x1x160xf32> to vector<8x160x160xf32>
    %sub3A_565 = arith.subf %sub3A_563, %sub3A_564 : vector<8x160x160xf32>
    %abs3A_566 = math.absf %sub3A_565 : vector<8x160x160xf32>
    %reduce_sum3A_567 = arith.constant dense<0.000000e+00> : vector<160x160xf32>
    %reduce_sum3A_568 = vector.multi_reduction <add>, %abs3A_566, %reduce_sum3A_567 [0] : vector<8x160x160xf32> to vector<160x160xf32>
    %add3A_569 = arith.addf %add3A_559, %reduce_sum3A_568 : vector<160x160xf32>
    %slice3A_570 = vector.extract_strided_slice %div3A_517 {offsets = [32, 0], sizes = [8, 160], strides = [1, 1]} : vector<192x160xf32> to vector<8x160xf32>
    %broadcast_in_dim3A_571 = vector.shape_cast %slice3A_570 : vector<8x160xf32> to vector<8x160x1xf32>
    %broadcast_in_dim3A_572 = vector.shape_cast %slice3A_570 : vector<8x160xf32> to vector<8x1x160xf32>
    %sub3A_573 = vector.broadcast %broadcast_in_dim3A_571 : vector<8x160x1xf32> to vector<8x160x160xf32>
    %sub3A_574 = vector.broadcast %broadcast_in_dim3A_572 : vector<8x1x160xf32> to vector<8x160x160xf32>
    %sub3A_575 = arith.subf %sub3A_573, %sub3A_574 : vector<8x160x160xf32>
    %abs3A_576 = math.absf %sub3A_575 : vector<8x160x160xf32>
    %reduce_sum3A_577 = arith.constant dense<0.000000e+00> : vector<160x160xf32>
    %reduce_sum3A_578 = vector.multi_reduction <add>, %abs3A_576, %reduce_sum3A_577 [0] : vector<8x160x160xf32> to vector<160x160xf32>
    %add3A_579 = arith.addf %add3A_569, %reduce_sum3A_578 : vector<160x160xf32>
    %slice3A_580 = vector.extract_strided_slice %div3A_517 {offsets = [40, 0], sizes = [8, 160], strides = [1, 1]} : vector<192x160xf32> to vector<8x160xf32>
    %broadcast_in_dim3A_581 = vector.shape_cast %slice3A_580 : vector<8x160xf32> to vector<8x160x1xf32>
    %broadcast_in_dim3A_582 = vector.shape_cast %slice3A_580 : vector<8x160xf32> to vector<8x1x160xf32>
    %sub3A_583 = vector.broadcast %broadcast_in_dim3A_581 : vector<8x160x1xf32> to vector<8x160x160xf32>
    %sub3A_584 = vector.broadcast %broadcast_in_dim3A_582 : vector<8x1x160xf32> to vector<8x160x160xf32>
    %sub3A_585 = arith.subf %sub3A_583, %sub3A_584 : vector<8x160x160xf32>
    %abs3A_586 = math.absf %sub3A_585 : vector<8x160x160xf32>
    %reduce_sum3A_587 = arith.constant dense<0.000000e+00> : vector<160x160xf32>
    %reduce_sum3A_588 = vector.multi_reduction <add>, %abs3A_586, %reduce_sum3A_587 [0] : vector<8x160x160xf32> to vector<160x160xf32>
    %add3A_589 = arith.addf %add3A_579, %reduce_sum3A_588 : vector<160x160xf32>
    %slice3A_590 = vector.extract_strided_slice %div3A_517 {offsets = [48, 0], sizes = [8, 160], strides = [1, 1]} : vector<192x160xf32> to vector<8x160xf32>
    %broadcast_in_dim3A_591 = vector.shape_cast %slice3A_590 : vector<8x160xf32> to vector<8x160x1xf32>
    %broadcast_in_dim3A_592 = vector.shape_cast %slice3A_590 : vector<8x160xf32> to vector<8x1x160xf32>
    %sub3A_593 = vector.broadcast %broadcast_in_dim3A_591 : vector<8x160x1xf32> to vector<8x160x160xf32>
    %sub3A_594 = vector.broadcast %broadcast_in_dim3A_592 : vector<8x1x160xf32> to vector<8x160x160xf32>
    %sub3A_595 = arith.subf %sub3A_593, %sub3A_594 : vector<8x160x160xf32>
    %abs3A_596 = math.absf %sub3A_595 : vector<8x160x160xf32>
    %reduce_sum3A_597 = arith.constant dense<0.000000e+00> : vector<160x160xf32>
    %reduce_sum3A_598 = vector.multi_reduction <add>, %abs3A_596, %reduce_sum3A_597 [0] : vector<8x160x160xf32> to vector<160x160xf32>
    %add3A_599 = arith.addf %add3A_589, %reduce_sum3A_598 : vector<160x160xf32>
    %slice3A_600 = vector.extract_strided_slice %div3A_517 {offsets = [56, 0], sizes = [8, 160], strides = [1, 1]} : vector<192x160xf32> to vector<8x160xf32>
    %broadcast_in_dim3A_601 = vector.shape_cast %slice3A_600 : vector<8x160xf32> to vector<8x160x1xf32>
    %broadcast_in_dim3A_602 = vector.shape_cast %slice3A_600 : vector<8x160xf32> to vector<8x1x160xf32>
    %sub3A_603 = vector.broadcast %broadcast_in_dim3A_601 : vector<8x160x1xf32> to vector<8x160x160xf32>
    %sub3A_604 = vector.broadcast %broadcast_in_dim3A_602 : vector<8x1x160xf32> to vector<8x160x160xf32>
    %sub3A_605 = arith.subf %sub3A_603, %sub3A_604 : vector<8x160x160xf32>
    %abs3A_606 = math.absf %sub3A_605 : vector<8x160x160xf32>
    %reduce_sum3A_607 = arith.constant dense<0.000000e+00> : vector<160x160xf32>
    %reduce_sum3A_608 = vector.multi_reduction <add>, %abs3A_606, %reduce_sum3A_607 [0] : vector<8x160x160xf32> to vector<160x160xf32>
    %add3A_609 = arith.addf %add3A_599, %reduce_sum3A_608 : vector<160x160xf32>
    %slice3A_610 = vector.extract_strided_slice %div3A_517 {offsets = [64, 0], sizes = [8, 160], strides = [1, 1]} : vector<192x160xf32> to vector<8x160xf32>
    %broadcast_in_dim3A_611 = vector.shape_cast %slice3A_610 : vector<8x160xf32> to vector<8x160x1xf32>
    %broadcast_in_dim3A_612 = vector.shape_cast %slice3A_610 : vector<8x160xf32> to vector<8x1x160xf32>
    %sub3A_613 = vector.broadcast %broadcast_in_dim3A_611 : vector<8x160x1xf32> to vector<8x160x160xf32>
    %sub3A_614 = vector.broadcast %broadcast_in_dim3A_612 : vector<8x1x160xf32> to vector<8x160x160xf32>
    %sub3A_615 = arith.subf %sub3A_613, %sub3A_614 : vector<8x160x160xf32>
    %abs3A_616 = math.absf %sub3A_615 : vector<8x160x160xf32>
    %reduce_sum3A_617 = arith.constant dense<0.000000e+00> : vector<160x160xf32>
    %reduce_sum3A_618 = vector.multi_reduction <add>, %abs3A_616, %reduce_sum3A_617 [0] : vector<8x160x160xf32> to vector<160x160xf32>
    %add3A_619 = arith.addf %add3A_609, %reduce_sum3A_618 : vector<160x160xf32>
    %slice3A_620 = vector.extract_strided_slice %div3A_517 {offsets = [72, 0], sizes = [8, 160], strides = [1, 1]} : vector<192x160xf32> to vector<8x160xf32>
    %broadcast_in_dim3A_621 = vector.shape_cast %slice3A_620 : vector<8x160xf32> to vector<8x160x1xf32>
    %broadcast_in_dim3A_622 = vector.shape_cast %slice3A_620 : vector<8x160xf32> to vector<8x1x160xf32>
    %sub3A_623 = vector.broadcast %broadcast_in_dim3A_621 : vector<8x160x1xf32> to vector<8x160x160xf32>
    %sub3A_624 = vector.broadcast %broadcast_in_dim3A_622 : vector<8x1x160xf32> to vector<8x160x160xf32>
    %sub3A_625 = arith.subf %sub3A_623, %sub3A_624 : vector<8x160x160xf32>
    %abs3A_626 = math.absf %sub3A_625 : vector<8x160x160xf32>
    %reduce_sum3A_627 = arith.constant dense<0.000000e+00> : vector<160x160xf32>
    %reduce_sum3A_628 = vector.multi_reduction <add>, %abs3A_626, %reduce_sum3A_627 [0] : vector<8x160x160xf32> to vector<160x160xf32>
    %add3A_629 = arith.addf %add3A_619, %reduce_sum3A_628 : vector<160x160xf32>
    %slice3A_630 = vector.extract_strided_slice %div3A_517 {offsets = [80, 0], sizes = [8, 160], strides = [1, 1]} : vector<192x160xf32> to vector<8x160xf32>
    %broadcast_in_dim3A_631 = vector.shape_cast %slice3A_630 : vector<8x160xf32> to vector<8x160x1xf32>
    %broadcast_in_dim3A_632 = vector.shape_cast %slice3A_630 : vector<8x160xf32> to vector<8x1x160xf32>
    %sub3A_633 = vector.broadcast %broadcast_in_dim3A_631 : vector<8x160x1xf32> to vector<8x160x160xf32>
    %sub3A_634 = vector.broadcast %broadcast_in_dim3A_632 : vector<8x1x160xf32> to vector<8x160x160xf32>
    %sub3A_635 = arith.subf %sub3A_633, %sub3A_634 : vector<8x160x160xf32>
    %abs3A_636 = math.absf %sub3A_635 : vector<8x160x160xf32>
    %reduce_sum3A_637 = arith.constant dense<0.000000e+00> : vector<160x160xf32>
    %reduce_sum3A_638 = vector.multi_reduction <add>, %abs3A_636, %reduce_sum3A_637 [0] : vector<8x160x160xf32> to vector<160x160xf32>
    %add3A_639 = arith.addf %add3A_629, %reduce_sum3A_638 : vector<160x160xf32>
    %slice3A_640 = vector.extract_strided_slice %div3A_517 {offsets = [88, 0], sizes = [8, 160], strides = [1, 1]} : vector<192x160xf32> to vector<8x160xf32>
    %broadcast_in_dim3A_641 = vector.shape_cast %slice3A_640 : vector<8x160xf32> to vector<8x160x1xf32>
    %broadcast_in_dim3A_642 = vector.shape_cast %slice3A_640 : vector<8x160xf32> to vector<8x1x160xf32>
    %sub3A_643 = vector.broadcast %broadcast_in_dim3A_641 : vector<8x160x1xf32> to vector<8x160x160xf32>
    %sub3A_644 = vector.broadcast %broadcast_in_dim3A_642 : vector<8x1x160xf32> to vector<8x160x160xf32>
    %sub3A_645 = arith.subf %sub3A_643, %sub3A_644 : vector<8x160x160xf32>
    %abs3A_646 = math.absf %sub3A_645 : vector<8x160x160xf32>
    %reduce_sum3A_647 = arith.constant dense<0.000000e+00> : vector<160x160xf32>
    %reduce_sum3A_648 = vector.multi_reduction <add>, %abs3A_646, %reduce_sum3A_647 [0] : vector<8x160x160xf32> to vector<160x160xf32>
    %add3A_649 = arith.addf %add3A_639, %reduce_sum3A_648 : vector<160x160xf32>
    %slice3A_650 = vector.extract_strided_slice %div3A_517 {offsets = [96, 0], sizes = [8, 160], strides = [1, 1]} : vector<192x160xf32> to vector<8x160xf32>
    %broadcast_in_dim3A_651 = vector.shape_cast %slice3A_650 : vector<8x160xf32> to vector<8x160x1xf32>
    %broadcast_in_dim3A_652 = vector.shape_cast %slice3A_650 : vector<8x160xf32> to vector<8x1x160xf32>
    %sub3A_653 = vector.broadcast %broadcast_in_dim3A_651 : vector<8x160x1xf32> to vector<8x160x160xf32>
    %sub3A_654 = vector.broadcast %broadcast_in_dim3A_652 : vector<8x1x160xf32> to vector<8x160x160xf32>
    %sub3A_655 = arith.subf %sub3A_653, %sub3A_654 : vector<8x160x160xf32>
    %abs3A_656 = math.absf %sub3A_655 : vector<8x160x160xf32>
    %reduce_sum3A_657 = arith.constant dense<0.000000e+00> : vector<160x160xf32>
    %reduce_sum3A_658 = vector.multi_reduction <add>, %abs3A_656, %reduce_sum3A_657 [0] : vector<8x160x160xf32> to vector<160x160xf32>
    %add3A_659 = arith.addf %add3A_649, %reduce_sum3A_658 : vector<160x160xf32>
    %slice3A_660 = vector.extract_strided_slice %div3A_517 {offsets = [104, 0], sizes = [8, 160], strides = [1, 1]} : vector<192x160xf32> to vector<8x160xf32>
    %broadcast_in_dim3A_661 = vector.shape_cast %slice3A_660 : vector<8x160xf32> to vector<8x160x1xf32>
    %broadcast_in_dim3A_662 = vector.shape_cast %slice3A_660 : vector<8x160xf32> to vector<8x1x160xf32>
    %sub3A_663 = vector.broadcast %broadcast_in_dim3A_661 : vector<8x160x1xf32> to vector<8x160x160xf32>
    %sub3A_664 = vector.broadcast %broadcast_in_dim3A_662 : vector<8x1x160xf32> to vector<8x160x160xf32>
    %sub3A_665 = arith.subf %sub3A_663, %sub3A_664 : vector<8x160x160xf32>
    %abs3A_666 = math.absf %sub3A_665 : vector<8x160x160xf32>
    %reduce_sum3A_667 = arith.constant dense<0.000000e+00> : vector<160x160xf32>
    %reduce_sum3A_668 = vector.multi_reduction <add>, %abs3A_666, %reduce_sum3A_667 [0] : vector<8x160x160xf32> to vector<160x160xf32>
    %add3A_669 = arith.addf %add3A_659, %reduce_sum3A_668 : vector<160x160xf32>
    %slice3A_670 = vector.extract_strided_slice %div3A_517 {offsets = [112, 0], sizes = [8, 160], strides = [1, 1]} : vector<192x160xf32> to vector<8x160xf32>
    %broadcast_in_dim3A_671 = vector.shape_cast %slice3A_670 : vector<8x160xf32> to vector<8x160x1xf32>
    %broadcast_in_dim3A_672 = vector.shape_cast %slice3A_670 : vector<8x160xf32> to vector<8x1x160xf32>
    %sub3A_673 = vector.broadcast %broadcast_in_dim3A_671 : vector<8x160x1xf32> to vector<8x160x160xf32>
    %sub3A_674 = vector.broadcast %broadcast_in_dim3A_672 : vector<8x1x160xf32> to vector<8x160x160xf32>
    %sub3A_675 = arith.subf %sub3A_673, %sub3A_674 : vector<8x160x160xf32>
    %abs3A_676 = math.absf %sub3A_675 : vector<8x160x160xf32>
    %reduce_sum3A_677 = arith.constant dense<0.000000e+00> : vector<160x160xf32>
    %reduce_sum3A_678 = vector.multi_reduction <add>, %abs3A_676, %reduce_sum3A_677 [0] : vector<8x160x160xf32> to vector<160x160xf32>
    %add3A_679 = arith.addf %add3A_669, %reduce_sum3A_678 : vector<160x160xf32>
    %slice3A_680 = vector.extract_strided_slice %div3A_517 {offsets = [120, 0], sizes = [8, 160], strides = [1, 1]} : vector<192x160xf32> to vector<8x160xf32>
    %broadcast_in_dim3A_681 = vector.shape_cast %slice3A_680 : vector<8x160xf32> to vector<8x160x1xf32>
    %broadcast_in_dim3A_682 = vector.shape_cast %slice3A_680 : vector<8x160xf32> to vector<8x1x160xf32>
    %sub3A_683 = vector.broadcast %broadcast_in_dim3A_681 : vector<8x160x1xf32> to vector<8x160x160xf32>
    %sub3A_684 = vector.broadcast %broadcast_in_dim3A_682 : vector<8x1x160xf32> to vector<8x160x160xf32>
    %sub3A_685 = arith.subf %sub3A_683, %sub3A_684 : vector<8x160x160xf32>
    %abs3A_686 = math.absf %sub3A_685 : vector<8x160x160xf32>
    %reduce_sum3A_687 = arith.constant dense<0.000000e+00> : vector<160x160xf32>
    %reduce_sum3A_688 = vector.multi_reduction <add>, %abs3A_686, %reduce_sum3A_687 [0] : vector<8x160x160xf32> to vector<160x160xf32>
    %add3A_689 = arith.addf %add3A_679, %reduce_sum3A_688 : vector<160x160xf32>
    %slice3A_690 = vector.extract_strided_slice %div3A_517 {offsets = [128, 0], sizes = [8, 160], strides = [1, 1]} : vector<192x160xf32> to vector<8x160xf32>
    %broadcast_in_dim3A_691 = vector.shape_cast %slice3A_690 : vector<8x160xf32> to vector<8x160x1xf32>
    %broadcast_in_dim3A_692 = vector.shape_cast %slice3A_690 : vector<8x160xf32> to vector<8x1x160xf32>
    %sub3A_693 = vector.broadcast %broadcast_in_dim3A_691 : vector<8x160x1xf32> to vector<8x160x160xf32>
    %sub3A_694 = vector.broadcast %broadcast_in_dim3A_692 : vector<8x1x160xf32> to vector<8x160x160xf32>
    %sub3A_695 = arith.subf %sub3A_693, %sub3A_694 : vector<8x160x160xf32>
    %abs3A_696 = math.absf %sub3A_695 : vector<8x160x160xf32>
    %reduce_sum3A_697 = arith.constant dense<0.000000e+00> : vector<160x160xf32>
    %reduce_sum3A_698 = vector.multi_reduction <add>, %abs3A_696, %reduce_sum3A_697 [0] : vector<8x160x160xf32> to vector<160x160xf32>
    %add3A_699 = arith.addf %add3A_689, %reduce_sum3A_698 : vector<160x160xf32>
    %slice3A_700 = vector.extract_strided_slice %div3A_517 {offsets = [136, 0], sizes = [8, 160], strides = [1, 1]} : vector<192x160xf32> to vector<8x160xf32>
    %broadcast_in_dim3A_701 = vector.shape_cast %slice3A_700 : vector<8x160xf32> to vector<8x160x1xf32>
    %broadcast_in_dim3A_702 = vector.shape_cast %slice3A_700 : vector<8x160xf32> to vector<8x1x160xf32>
    %sub3A_703 = vector.broadcast %broadcast_in_dim3A_701 : vector<8x160x1xf32> to vector<8x160x160xf32>
    %sub3A_704 = vector.broadcast %broadcast_in_dim3A_702 : vector<8x1x160xf32> to vector<8x160x160xf32>
    %sub3A_705 = arith.subf %sub3A_703, %sub3A_704 : vector<8x160x160xf32>
    %abs3A_706 = math.absf %sub3A_705 : vector<8x160x160xf32>
    %reduce_sum3A_707 = arith.constant dense<0.000000e+00> : vector<160x160xf32>
    %reduce_sum3A_708 = vector.multi_reduction <add>, %abs3A_706, %reduce_sum3A_707 [0] : vector<8x160x160xf32> to vector<160x160xf32>
    %add3A_709 = arith.addf %add3A_699, %reduce_sum3A_708 : vector<160x160xf32>
    %slice3A_710 = vector.extract_strided_slice %div3A_517 {offsets = [144, 0], sizes = [8, 160], strides = [1, 1]} : vector<192x160xf32> to vector<8x160xf32>
    %broadcast_in_dim3A_711 = vector.shape_cast %slice3A_710 : vector<8x160xf32> to vector<8x160x1xf32>
    %broadcast_in_dim3A_712 = vector.shape_cast %slice3A_710 : vector<8x160xf32> to vector<8x1x160xf32>
    %sub3A_713 = vector.broadcast %broadcast_in_dim3A_711 : vector<8x160x1xf32> to vector<8x160x160xf32>
    %sub3A_714 = vector.broadcast %broadcast_in_dim3A_712 : vector<8x1x160xf32> to vector<8x160x160xf32>
    %sub3A_715 = arith.subf %sub3A_713, %sub3A_714 : vector<8x160x160xf32>
    %abs3A_716 = math.absf %sub3A_715 : vector<8x160x160xf32>
    %reduce_sum3A_717 = arith.constant dense<0.000000e+00> : vector<160x160xf32>
    %reduce_sum3A_718 = vector.multi_reduction <add>, %abs3A_716, %reduce_sum3A_717 [0] : vector<8x160x160xf32> to vector<160x160xf32>
    %add3A_719 = arith.addf %add3A_709, %reduce_sum3A_718 : vector<160x160xf32>
    %slice3A_720 = vector.extract_strided_slice %div3A_517 {offsets = [152, 0], sizes = [8, 160], strides = [1, 1]} : vector<192x160xf32> to vector<8x160xf32>
    %broadcast_in_dim3A_721 = vector.shape_cast %slice3A_720 : vector<8x160xf32> to vector<8x160x1xf32>
    %broadcast_in_dim3A_722 = vector.shape_cast %slice3A_720 : vector<8x160xf32> to vector<8x1x160xf32>
    %sub3A_723 = vector.broadcast %broadcast_in_dim3A_721 : vector<8x160x1xf32> to vector<8x160x160xf32>
    %sub3A_724 = vector.broadcast %broadcast_in_dim3A_722 : vector<8x1x160xf32> to vector<8x160x160xf32>
    %sub3A_725 = arith.subf %sub3A_723, %sub3A_724 : vector<8x160x160xf32>
    %abs3A_726 = math.absf %sub3A_725 : vector<8x160x160xf32>
    %reduce_sum3A_727 = arith.constant dense<0.000000e+00> : vector<160x160xf32>
    %reduce_sum3A_728 = vector.multi_reduction <add>, %abs3A_726, %reduce_sum3A_727 [0] : vector<8x160x160xf32> to vector<160x160xf32>
    %add3A_729 = arith.addf %add3A_719, %reduce_sum3A_728 : vector<160x160xf32>
    %slice3A_730 = vector.extract_strided_slice %div3A_517 {offsets = [160, 0], sizes = [8, 160], strides = [1, 1]} : vector<192x160xf32> to vector<8x160xf32>
    %broadcast_in_dim3A_731 = vector.shape_cast %slice3A_730 : vector<8x160xf32> to vector<8x160x1xf32>
    %broadcast_in_dim3A_732 = vector.shape_cast %slice3A_730 : vector<8x160xf32> to vector<8x1x160xf32>
    %sub3A_733 = vector.broadcast %broadcast_in_dim3A_731 : vector<8x160x1xf32> to vector<8x160x160xf32>
    %sub3A_734 = vector.broadcast %broadcast_in_dim3A_732 : vector<8x1x160xf32> to vector<8x160x160xf32>
    %sub3A_735 = arith.subf %sub3A_733, %sub3A_734 : vector<8x160x160xf32>
    %abs3A_736 = math.absf %sub3A_735 : vector<8x160x160xf32>
    %reduce_sum3A_737 = arith.constant dense<0.000000e+00> : vector<160x160xf32>
    %reduce_sum3A_738 = vector.multi_reduction <add>, %abs3A_736, %reduce_sum3A_737 [0] : vector<8x160x160xf32> to vector<160x160xf32>
    %add3A_739 = arith.addf %add3A_729, %reduce_sum3A_738 : vector<160x160xf32>
    %slice3A_740 = vector.extract_strided_slice %div3A_517 {offsets = [168, 0], sizes = [8, 160], strides = [1, 1]} : vector<192x160xf32> to vector<8x160xf32>
    %broadcast_in_dim3A_741 = vector.shape_cast %slice3A_740 : vector<8x160xf32> to vector<8x160x1xf32>
    %broadcast_in_dim3A_742 = vector.shape_cast %slice3A_740 : vector<8x160xf32> to vector<8x1x160xf32>
    %sub3A_743 = vector.broadcast %broadcast_in_dim3A_741 : vector<8x160x1xf32> to vector<8x160x160xf32>
    %sub3A_744 = vector.broadcast %broadcast_in_dim3A_742 : vector<8x1x160xf32> to vector<8x160x160xf32>
    %sub3A_745 = arith.subf %sub3A_743, %sub3A_744 : vector<8x160x160xf32>
    %abs3A_746 = math.absf %sub3A_745 : vector<8x160x160xf32>
    %reduce_sum3A_747 = arith.constant dense<0.000000e+00> : vector<160x160xf32>
    %reduce_sum3A_748 = vector.multi_reduction <add>, %abs3A_746, %reduce_sum3A_747 [0] : vector<8x160x160xf32> to vector<160x160xf32>
    %add3A_749 = arith.addf %add3A_739, %reduce_sum3A_748 : vector<160x160xf32>
    %slice3A_750 = vector.extract_strided_slice %div3A_517 {offsets = [176, 0], sizes = [8, 160], strides = [1, 1]} : vector<192x160xf32> to vector<8x160xf32>
    %broadcast_in_dim3A_751 = vector.shape_cast %slice3A_750 : vector<8x160xf32> to vector<8x160x1xf32>
    %broadcast_in_dim3A_752 = vector.shape_cast %slice3A_750 : vector<8x160xf32> to vector<8x1x160xf32>
    %sub3A_753 = vector.broadcast %broadcast_in_dim3A_751 : vector<8x160x1xf32> to vector<8x160x160xf32>
    %sub3A_754 = vector.broadcast %broadcast_in_dim3A_752 : vector<8x1x160xf32> to vector<8x160x160xf32>
    %sub3A_755 = arith.subf %sub3A_753, %sub3A_754 : vector<8x160x160xf32>
    %abs3A_756 = math.absf %sub3A_755 : vector<8x160x160xf32>
    %reduce_sum3A_757 = arith.constant dense<0.000000e+00> : vector<160x160xf32>
    %reduce_sum3A_758 = vector.multi_reduction <add>, %abs3A_756, %reduce_sum3A_757 [0] : vector<8x160x160xf32> to vector<160x160xf32>
    %add3A_759 = arith.addf %add3A_749, %reduce_sum3A_758 : vector<160x160xf32>
    %slice3A_760 = vector.extract_strided_slice %div3A_517 {offsets = [184, 0], sizes = [8, 160], strides = [1, 1]} : vector<192x160xf32> to vector<8x160xf32>
    %broadcast_in_dim3A_761 = vector.shape_cast %slice3A_760 : vector<8x160xf32> to vector<8x160x1xf32>
    %broadcast_in_dim3A_762 = vector.shape_cast %slice3A_760 : vector<8x160xf32> to vector<8x1x160xf32>
    %sub3A_763 = vector.broadcast %broadcast_in_dim3A_761 : vector<8x160x1xf32> to vector<8x160x160xf32>
    %sub3A_764 = vector.broadcast %broadcast_in_dim3A_762 : vector<8x1x160xf32> to vector<8x160x160xf32>
    %sub3A_765 = arith.subf %sub3A_763, %sub3A_764 : vector<8x160x160xf32>
    %abs3A_766 = math.absf %sub3A_765 : vector<8x160x160xf32>
    %reduce_sum3A_767 = arith.constant dense<0.000000e+00> : vector<160x160xf32>
    %reduce_sum3A_768 = vector.multi_reduction <add>, %abs3A_766, %reduce_sum3A_767 [0] : vector<8x160x160xf32> to vector<160x160xf32>
    %add3A_769 = arith.addf %add3A_759, %reduce_sum3A_768 : vector<160x160xf32>
    %mul3A_770 = arith.constant 0.00520833349 : f32
    %mul3A_771 = vector.broadcast %mul3A_770 : f32 to vector<160x160xf32>
    %mul3A_772 = arith.mulf %add3A_769, %mul3A_771 : vector<160x160xf32>
    %jit3A_773 = arith.constant -1 : i64
    %convert_element_type3A_774 = arith.trunci %jit3A_773 : i64 to i32
    %broadcast_in_dim3A_775 = vector.broadcast %convert_element_type3A_774 : i32 to vector<1x160xi32>
    %select_n3A_776 = arith.select %gt3A_520, %iota3A_1, %broadcast_in_dim3A_775 : vector<1x160xi1>, vector<1x160xi32>
    %reduce_max3A_777 = vector.shape_cast %select_n3A_776 : vector<1x160xi32> to vector<1x1x160xi32>
    %reduce_max3A_778 = arith.constant dense<-2147483648> : vector<1xi32>
    %reduce_max3A_779 = vector.multi_reduction <maxsi>, %reduce_max3A_777, %reduce_max3A_778 [1, 2] : vector<1x1x160xi32> to vector<1xi32>
    %reduce_max3A_780 = vector.shape_cast %reduce_max3A_779 : vector<1xi32> to vector<1x1x1xi32>
    %reduce_max3A_781 = vector.extract %reduce_max3A_780[0, 0, 0] : i32 from vector<1x1x1xi32>
    %eq3A_782 = vector.broadcast %reduce_max3A_781 : i32 to vector<1x160xi32>
    %eq3A_783 = arith.cmpi eq, %iota3A_1, %eq3A_782 : vector<1x160xi32>
    %jit3A_784 = arith.constant -1 : i64
    %convert_element_type3A_785 = arith.trunci %jit3A_784 : i64 to i32
    %broadcast_in_dim3A_786 = vector.broadcast %convert_element_type3A_785 : i32 to vector<1x160xi32>
    %select_n3A_787 = arith.select %eq3A_783, %broadcast_in_dim3A_786, %select_n3A_776 : vector<1x160xi1>, vector<1x160xi32>
    %reduce_max3A_788 = vector.shape_cast %select_n3A_787 : vector<1x160xi32> to vector<1x1x160xi32>
    %reduce_max3A_789 = arith.constant dense<-2147483648> : vector<1xi32>
    %reduce_max3A_790 = vector.multi_reduction <maxsi>, %reduce_max3A_788, %reduce_max3A_789 [1, 2] : vector<1x1x160xi32> to vector<1xi32>
    %reduce_max3A_791 = vector.shape_cast %reduce_max3A_790 : vector<1xi32> to vector<1x1x1xi32>
    %reduce_max3A_792 = vector.extract %reduce_max3A_791[0, 0, 0] : i32 from vector<1x1x1xi32>
    %convert_element_type3A_793 = arith.sitofp %max3A_496 : i32 to f32
    %convert_element_type3A_794 = arith.sitofp %iota3A_1 : vector<1x160xi32> to vector<1x160xf32>
    %sub3A_795 = arith.constant 1.000000e+00 : f32
    %sub3A_796 = vector.broadcast %sub3A_795 : f32 to vector<1x160xf32>
    %sub3A_797 = arith.subf %convert_element_type3A_794, %sub3A_796 : vector<1x160xf32>
    %div3A_798 = vector.broadcast %convert_element_type3A_793 : f32 to vector<1x160xf32>
    %div3A_799 = arith.divf %sub3A_797, %div3A_798 : vector<1x160xf32>
    %floor3A_800 = math.floor %div3A_799 : vector<1x160xf32>
    %eq3A_801 = vector.broadcast %reduce_max3A_781 : i32 to vector<1x160xi32>
    %eq3A_802 = arith.cmpi eq, %iota3A_1, %eq3A_801 : vector<1x160xi32>
    %convert_element_type3A_803 = arith.sitofp %reduce_max3A_792 : i32 to f32
    %sub3A_804 = arith.constant 1.000000e+00 : f32
    %sub3A_805 = arith.subf %convert_element_type3A_803, %sub3A_804 : f32
    %div3A_806 = arith.divf %sub3A_805, %convert_element_type3A_793 : f32
    %floor3A_807 = math.floor %div3A_806 : f32
    %broadcast_in_dim3A_808 = vector.broadcast %floor3A_807 : f32 to vector<1x160xf32>
    %select_n3A_809 = arith.select %eq3A_802, %broadcast_in_dim3A_808, %floor3A_800 : vector<1x160xi1>, vector<1x160xf32>
    %ge3A_810 = arith.constant 2.000000e+00 : f32
    %ge3A_811 = vector.broadcast %ge3A_810 : f32 to vector<1x160xf32>
    %ge3A_812 = arith.cmpf oge, %dot_general3A_510, %ge3A_811 : vector<1x160xf32>
    %and3A_813 = arith.andi %gt3A_520, %ge3A_812 : vector<1x160xi1>
    %ge3A_814 = arith.constant 1 : i32
    %ge3A_815 = vector.broadcast %ge3A_814 : i32 to vector<1x160xi32>
    %ge3A_816 = arith.cmpi sge, %iota3A_1, %ge3A_815 : vector<1x160xi32>
    %and3A_817 = arith.andi %and3A_813, %ge3A_816 : vector<1x160xi1>
    %jit3A_818 = arith.constant -1 : i64
    %convert_element_type3A_819 = arith.trunci %jit3A_818 : i64 to i32
    %broadcast_in_dim3A_820 = vector.broadcast %convert_element_type3A_819 : i32 to vector<1x160xi32>
    %select_n3A_821 = arith.select %and3A_817, %iota3A_1, %broadcast_in_dim3A_820 : vector<1x160xi1>, vector<1x160xi32>
    %broadcast_in_dim3A_822 = vector.shape_cast %select_n3A_821 : vector<1x160xi32> to vector<1x160xi32>
    %broadcast_in_dim3A_823 = vector.broadcast %broadcast_in_dim3A_822 : vector<1x160xi32> to vector<160x160xi32>
    %jit3A_824 = arith.constant 0 : i64
    %convert_element_type3A_825 = arith.trunci %jit3A_824 : i64 to i32
    %broadcast_in_dim3A_826 = vector.broadcast %convert_element_type3A_825 : i32 to vector<160x160xi32>
    %select_n3A_827 = arith.select %eq3A, %broadcast_in_dim3A_823, %broadcast_in_dim3A_826 : vector<160x160xi1>, vector<160x160xi32>
    %reduce_sum3A_828 = arith.constant dense<0> : vector<160xi32>
    %reduce_sum3A_829 = vector.multi_reduction <add>, %select_n3A_827, %reduce_sum3A_828 [1] : vector<160x160xi32> to vector<160xi32>
    %broadcast_in_dim3A_830 = vector.shape_cast %reduce_sum3A_829 : vector<160xi32> to vector<160x1xi32>
    %lt3A_831 = arith.cmpi slt, %iota3A, %iota3A_0 : vector<160x160xi32>
    %broadcast_in_dim3A_832 = vector.shape_cast %broadcast_in_dim3A_830 : vector<160x1xi32> to vector<160x1xi32>
    %broadcast_in_dim3A_833 = vector.broadcast %broadcast_in_dim3A_832 : vector<160x1xi32> to vector<160x160xi32>
    %jit3A_834 = arith.constant -1 : i64
    %convert_element_type3A_835 = arith.trunci %jit3A_834 : i64 to i32
    %broadcast_in_dim3A_836 = vector.broadcast %convert_element_type3A_835 : i32 to vector<160x160xi32>
    %select_n3A_837 = arith.select %lt3A_831, %broadcast_in_dim3A_833, %broadcast_in_dim3A_836 : vector<160x160xi1>, vector<160x160xi32>
    %reduce_max3A_838 = arith.constant dense<-2147483648> : vector<160xi32>
    %reduce_max3A_839 = vector.multi_reduction <maxsi>, %select_n3A_837, %reduce_max3A_838 [0] : vector<160x160xi32> to vector<160xi32>
    %broadcast_in_dim3A_840 = vector.shape_cast %reduce_max3A_839 : vector<160xi32> to vector<1x160xi32>
    %max3A_841 = arith.constant 0 : i32
    %max3A_842 = vector.broadcast %max3A_841 : i32 to vector<1x160xi32>
    %max3A_843 = arith.maxsi %broadcast_in_dim3A_840, %max3A_842 : vector<1x160xi32>
    %broadcast_in_dim3A_844 = vector.shape_cast %select_n3A_809 : vector<1x160xf32> to vector<1x160xf32>
    %broadcast_in_dim3A_845 = vector.broadcast %broadcast_in_dim3A_844 : vector<1x160xf32> to vector<160x160xf32>
    %jit3A_846 = arith.constant 0.000000e+00 : f32
    %broadcast_in_dim3A_847 = vector.broadcast %jit3A_846 : f32 to vector<160x160xf32>
    %select_n3A_848 = arith.select %eq3A, %broadcast_in_dim3A_845, %broadcast_in_dim3A_847 : vector<160x160xi1>, vector<160x160xf32>
    %reduce_sum3A_849 = arith.constant dense<0.000000e+00> : vector<160xf32>
    %reduce_sum3A_850 = vector.multi_reduction <add>, %select_n3A_848, %reduce_sum3A_849 [1] : vector<160x160xf32> to vector<160xf32>
    %broadcast_in_dim3A_851 = vector.shape_cast %reduce_sum3A_850 : vector<160xf32> to vector<160x1xf32>
    %broadcast_in_dim3A_852 = vector.shape_cast %max3A_843 : vector<1x160xi32> to vector<1x160xi32>
    %broadcast_in_dim3A_853 = vector.broadcast %broadcast_in_dim3A_852 : vector<1x160xi32> to vector<160x160xi32>
    %eq3A_854 = arith.cmpi eq, %iota3A, %broadcast_in_dim3A_853 : vector<160x160xi32>
    %broadcast_in_dim3A_855 = vector.shape_cast %broadcast_in_dim3A_851 : vector<160x1xf32> to vector<160x1xf32>
    %broadcast_in_dim3A_856 = vector.broadcast %broadcast_in_dim3A_855 : vector<160x1xf32> to vector<160x160xf32>
    %jit3A_857 = arith.constant 0.000000e+00 : f64
    %convert_element_type3A_858 = arith.truncf %jit3A_857 : f64 to f32
    %broadcast_in_dim3A_859 = vector.broadcast %convert_element_type3A_858 : f32 to vector<160x160xf32>
    %select_n3A_860 = arith.select %eq3A_854, %broadcast_in_dim3A_856, %broadcast_in_dim3A_859 : vector<160x160xi1>, vector<160x160xf32>
    %reduce_sum3A_861 = arith.constant dense<0.000000e+00> : vector<160xf32>
    %reduce_sum3A_862 = vector.multi_reduction <add>, %select_n3A_860, %reduce_sum3A_861 [0] : vector<160x160xf32> to vector<160xf32>
    %broadcast_in_dim3A_863 = vector.shape_cast %reduce_sum3A_862 : vector<160xf32> to vector<1x160xf32>
    %lt3A_864 = arith.constant 0 : i32
    %lt3A_865 = vector.broadcast %lt3A_864 : i32 to vector<1x160xi32>
    %lt3A_866 = arith.cmpi slt, %broadcast_in_dim3A_840, %lt3A_865 : vector<1x160xi32>
    %jit3A_867 = arith.constant -1.000000e+09 : f32
    %broadcast_in_dim3A_868 = vector.broadcast %jit3A_867 : f32 to vector<1x160xf32>
    %select_n3A_869 = arith.select %lt3A_866, %broadcast_in_dim3A_868, %broadcast_in_dim3A_863 : vector<1x160xi1>, vector<1x160xf32>
    %ne3A_870 = arith.cmpf one, %select_n3A_809, %select_n3A_869 : vector<1x160xf32>
    %and3A_871 = arith.andi %and3A_817, %ne3A_870 : vector<1x160xi1>
    %convert_element_type3A_872 = arith.extui %and3A_871 : vector<1x160xi1> to vector<1x160xi32>
    %convert_element_type3A_873 = arith.sitofp %convert_element_type3A_872 : vector<1x160xi32> to vector<1x160xf32>
    %broadcast_in_dim3A_874 = vector.shape_cast %convert_element_type3A_873 : vector<1x160xf32> to vector<1x160xf32>
    %broadcast_in_dim3A_875 = vector.broadcast %broadcast_in_dim3A_874 : vector<1x160xf32> to vector<160x160xf32>
    %jit3A_876 = arith.constant 0.000000e+00 : f32
    %broadcast_in_dim3A_877 = vector.broadcast %jit3A_876 : f32 to vector<160x160xf32>
    %select_n3A_878 = arith.select %eq3A, %broadcast_in_dim3A_875, %broadcast_in_dim3A_877 : vector<160x160xi1>, vector<160x160xf32>
    %reduce_sum3A_879 = arith.constant dense<0.000000e+00> : vector<160xf32>
    %reduce_sum3A_880 = vector.multi_reduction <add>, %select_n3A_878, %reduce_sum3A_879 [1] : vector<160x160xf32> to vector<160xf32>
    %broadcast_in_dim3A_881 = vector.shape_cast %reduce_sum3A_880 : vector<160xf32> to vector<160x1xf32>
    %le3A_882 = arith.cmpi sle, %iota3A, %iota3A_0 : vector<160x160xi32>
    %broadcast_in_dim3A_883 = vector.shape_cast %broadcast_in_dim3A_881 : vector<160x1xf32> to vector<160x1xf32>
    %broadcast_in_dim3A_884 = vector.broadcast %broadcast_in_dim3A_883 : vector<160x1xf32> to vector<160x160xf32>
    %jit3A_885 = arith.constant 0.000000e+00 : f64
    %convert_element_type3A_886 = arith.truncf %jit3A_885 : f64 to f32
    %broadcast_in_dim3A_887 = vector.broadcast %convert_element_type3A_886 : f32 to vector<160x160xf32>
    %select_n3A_888 = arith.select %le3A_882, %broadcast_in_dim3A_884, %broadcast_in_dim3A_887 : vector<160x160xi1>, vector<160x160xf32>
    %reduce_sum3A_889 = arith.constant dense<0.000000e+00> : vector<160xf32>
    %reduce_sum3A_890 = vector.multi_reduction <add>, %select_n3A_888, %reduce_sum3A_889 [0] : vector<160x160xf32> to vector<160xf32>
    %broadcast_in_dim3A_891 = vector.shape_cast %reduce_sum3A_890 : vector<160xf32> to vector<1x160xf32>
    %sub3A_892 = arith.constant 1.000000e+00 : f32
    %sub3A_893 = vector.broadcast %sub3A_892 : f32 to vector<1x160xf32>
    %sub3A_894 = arith.subf %broadcast_in_dim3A_891, %sub3A_893 : vector<1x160xf32>
    %jit3A_895 = arith.constant -1.000000e+00 : f32
    %broadcast_in_dim3A_896 = vector.broadcast %jit3A_895 : f32 to vector<1x160xf32>
    %select_n3A_897 = arith.select %and3A_817, %sub3A_894, %broadcast_in_dim3A_896 : vector<1x160xi1>, vector<1x160xf32>
    %convert_element_type3A_898 = arith.sitofp %iota3A : vector<160x160xi32> to vector<160x160xf32>
    %broadcast_in_dim3A_899 = vector.shape_cast %select_n3A_897 : vector<1x160xf32> to vector<1x160xf32>
    %broadcast_in_dim3A_900 = vector.broadcast %broadcast_in_dim3A_899 : vector<1x160xf32> to vector<160x160xf32>
    %eq3A_901 = arith.cmpf oeq, %convert_element_type3A_898, %broadcast_in_dim3A_900 : vector<160x160xf32>
    %convert_element_type3A_902 = arith.extui %eq3A_901 : vector<160x160xi1> to vector<160x160xi32>
    %convert_element_type3A_903 = arith.sitofp %convert_element_type3A_902 : vector<160x160xi32> to vector<160x160xf32>
    %reduce_sum3A_904 = arith.constant dense<0.000000e+00> : vector<160xf32>
    %reduce_sum3A_905 = vector.multi_reduction <add>, %convert_element_type3A_903, %reduce_sum3A_904 [1] : vector<160x160xf32> to vector<160xf32>
    %broadcast_in_dim3A_906 = vector.shape_cast %reduce_sum3A_905 : vector<160xf32> to vector<160x1xf32>
    %dot_general3A_907 = arith.constant dense<0.000000e+00> : vector<160x160xf32>
    %dot_general3A_908 = tpu.matmul %convert_element_type3A_903, %mul3A_772, %dot_general3A_907 {dimension_numbers = #tpu.dot_dimension_numbers<[1], [0], [0], [1], [0, 0, 1, 1], [], []>, transpose_lhs_hint = false} : vector<160x160xf32>, vector<160x160xf32>, vector<160x160xf32> -> vector<160x160xf32>
    %mul3A_909 = arith.mulf %dot_general3A_908, %convert_element_type3A_903 : vector<160x160xf32>
    %reduce_sum3A_910 = arith.constant dense<0.000000e+00> : vector<160xf32>
    %reduce_sum3A_911 = vector.multi_reduction <add>, %mul3A_909, %reduce_sum3A_910 [1] : vector<160x160xf32> to vector<160xf32>
    %broadcast_in_dim3A_912 = vector.shape_cast %reduce_sum3A_911 : vector<160xf32> to vector<160x1xf32>
    %max3A_913 = arith.constant 1.000000e+00 : f32
    %max3A_914 = vector.broadcast %max3A_913 : f32 to vector<160x1xf32>
    %max3A_915 = arith.maximumf %broadcast_in_dim3A_906, %max3A_914 : vector<160x1xf32>
    %integer_pow3A_916 = arith.mulf %max3A_915, %max3A_915 : vector<160x1xf32>
    %div3A_917 = arith.divf %broadcast_in_dim3A_912, %integer_pow3A_916 : vector<160x1xf32>
    %lt3A_918 = arith.constant 1.000000e+00 : f32
    %lt3A_919 = vector.broadcast %lt3A_918 : f32 to vector<160x1xf32>
    %lt3A_920 = arith.cmpf olt, %div3A_917, %lt3A_919 : vector<160x1xf32>
    %mul3A_921 = arith.constant 5.000000e-01 : f32
    %mul3A_922 = vector.broadcast %mul3A_921 : f32 to vector<160x1xf32>
    %mul3A_923 = arith.mulf %mul3A_922, %div3A_917 : vector<160x1xf32>
    %mul3A_924 = arith.mulf %mul3A_923, %div3A_917 : vector<160x1xf32>
    %sub3A_925 = arith.constant 5.000000e-01 : f32
    %sub3A_926 = vector.broadcast %sub3A_925 : f32 to vector<160x1xf32>
    %sub3A_927 = arith.subf %div3A_917, %sub3A_926 : vector<160x1xf32>
    %select_n3A_928 = arith.select %lt3A_920, %mul3A_924, %sub3A_927 : vector<160x1xi1>, vector<160x1xf32>
    %gt3A_929 = arith.constant 0.000000e+00 : f32
    %gt3A_930 = vector.broadcast %gt3A_929 : f32 to vector<160x1xf32>
    %gt3A_931 = arith.cmpf ogt, %broadcast_in_dim3A_906, %gt3A_930 : vector<160x1xf32>
    %gt3A_932 = arith.constant 1.000000e+00 : f32
    %gt3A_933 = arith.cmpf ogt, %reduce_sum3A_527, %gt3A_932 : f32
    %and3A_934 = vector.broadcast %gt3A_933 : i1 to vector<160x1xi1>
    %and3A_935 = arith.andi %gt3A_931, %and3A_934 : vector<160x1xi1>
    %jit3A_936 = arith.constant 0.000000e+00 : f64
    %convert_element_type3A_937 = arith.truncf %jit3A_936 : f64 to f32
    %broadcast_in_dim3A_938 = vector.broadcast %convert_element_type3A_937 : f32 to vector<160x1xf32>
    %select_n3A_939 = arith.select %and3A_935, %select_n3A_928, %broadcast_in_dim3A_938 : vector<160x1xi1>, vector<160x1xf32>
    %reduce_sum3A_940 = vector.shape_cast %select_n3A_939 : vector<160x1xf32> to vector<1x160x1xf32>
    %reduce_sum3A_941 = arith.constant dense<0.000000e+00> : vector<1xf32>
    %reduce_sum3A_942 = vector.multi_reduction <add>, %reduce_sum3A_940, %reduce_sum3A_941 [1, 2] : vector<1x160x1xf32> to vector<1xf32>
    %reduce_sum3A_943 = vector.shape_cast %reduce_sum3A_942 : vector<1xf32> to vector<1x1x1xf32>
    %reduce_sum3A_944 = vector.extract %reduce_sum3A_943[0, 0, 0] : f32 from vector<1x1x1xf32>
    %add3A_945 = arith.addf %add3A_457, %reduce_sum3A_944 : f32
    %convert_element_type3A_946 = arith.extui %and3A_935 : vector<160x1xi1> to vector<160x1xi32>
    %convert_element_type3A_947 = arith.sitofp %convert_element_type3A_946 : vector<160x1xi32> to vector<160x1xf32>
    %reduce_sum3A_948 = vector.shape_cast %convert_element_type3A_947 : vector<160x1xf32> to vector<1x160x1xf32>
    %reduce_sum3A_949 = arith.constant dense<0.000000e+00> : vector<1xf32>
    %reduce_sum3A_950 = vector.multi_reduction <add>, %reduce_sum3A_948, %reduce_sum3A_949 [1, 2] : vector<1x160x1xf32> to vector<1xf32>
    %reduce_sum3A_951 = vector.shape_cast %reduce_sum3A_950 : vector<1xf32> to vector<1x1x1xf32>
    %reduce_sum3A_952 = vector.extract %reduce_sum3A_951[0, 0, 0] : f32 from vector<1x1x1xf32>
    %add3A_953 = arith.addf %add3A_466, %reduce_sum3A_952 : f32
    %gt3A_954 = arith.constant 0.000000e+00 : f32
    %gt3A_955 = arith.cmpf ogt, %add3A_953, %gt3A_954 : f32
    %max3A_956 = arith.constant 1.000000e+00 : f32
    %max3A_957 = arith.maximumf %add3A_953, %max3A_956 : f32
    %div3A_958 = arith.divf %add3A_945, %max3A_957 : f32
    %jit3A_959 = arith.constant 0.000000e+00 : f64
    %convert_element_type3A_960 = arith.truncf %jit3A_959 : f64 to f32
    %select_n3A_961 = arith.select %gt3A_955, %div3A_958, %convert_element_type3A_960 : f32
    %mul3A_962 = arith.constant 5.000000e-01 : f32
    %mul3A_963 = arith.mulf %select_n3A_961, %mul3A_962 : f32
    %broadcast_in_dim3A_964 = vector.broadcast %mul3A_963 : f32 to vector<1x1xf32>
    %swap3A = arith.constant 0 : index
    %swap3A_965 = arith.constant 0 : index
    %swap3A_966 = vector.load %arg2[%swap3A, %swap3A_965] : memref<1x1xf32, #tpu.memory_space<vmem>>, vector<1x1xf32>
    tpu.vector_store %arg2[%swap3A, %swap3A_965], %broadcast_in_dim3A_964 {strides = array<i32>} : memref<1x1xf32, #tpu.memory_space<vmem>>, vector<1x1xf32>,
    return
  }
}

</mosaic_0001>

<sc_bundles>
// kernel: kernel.5.cloned.1.call-start
scs
__scs_entry_jumppad:
0x0: {  	(pc) =	sbr.rel $0x88, $3  }
0x1: {  	(tag) =	ssettag $0x0;
	lr =	simm.s32 $0x1  }
0x2: {  	[smem:$0x3F9E] =	sst lr;
	_ =	strace $0xD0000000  }
0x3: {  	_ = 	snop  }
0x4: {  	_ = 	snop  }
0x5: {  	_ = 	snop  }
0x6: {  	_ = 	snop  }
0x7: {  	_ = 	snop  }
__scs_overlays_trampoline_lowered:
0x8: {  	[smem:$0x3FAD] =	sst s0  }
0x9: {  	[smem:$0x3FAE] =	sst s1  }
0xa: {  	[smem:$0x3FAF] =	sst s2  }
0xb: {  	[smem:$0x3FB0] =	sst s3  }
0xc: {  	[smem:$0x3FB1] =	sst s4  }
0xd: {  	[smem:$0x3FB2] =	sst s5  }
0xe: {  	[smem:$0x3FB3] =	sst s6  }
0xf: {  	[smem:$0x3FB4] =	sst s7  }
0x10: {  	[smem:$0x3FB5] =	sst s8  }
0x11: {  	[smem:$0x3FB6] =	sst s9;
	s0 =	simm.s32 @!p0 $0x0  }
0x12: {  	s1 =	sld [smem:$0x3F9C];
	s0 =	simm.s32 @p0 $0x1  }
0x13: {  	[smem:$0x3FB7] =	sst s0;
	s0 =	simm.s32 @!p1 $0x0  }
0x14: {  	s2 =	sld [smem:$0x3F9B];
	s0 =	simm.s32 @p1 $0x1  }
0x15: {  	[smem:$0x3FB8] =	sst s0;
	s0 =	simm.s32 @!p2 $0x0  }
0x16: {  	s3 =	sld [smem:$0x3FDB];
	s0 =	simm.s32 @p2 $0x1  }
0x17: {  	s4 =	simm.s32 $0x1BF5;
	[smem:$0x3FBA] =	sst s0  }
0x18: {  	s0 =	sld [smem:$0x3F9D];
	_ =	swait.ge [sflag:s4], $0x0  }
0x19: {  	s7 =	sld [smem:$0x3F9E]  }
0x1a: {  	s8 =	sadd.s32 $0xFFFFE003, lr  }
0x1b: {  	s9 =	sadd.s32 $0xFFFFFEF7, lr;
	s5 =	simm.s32 $0xFFFFFFFF;
	p2 =	slt.u32 s8, $0xFFFFF086  }
0x1c: {  	p1 =	slt.u32 s9, $0xF7A;
	s5 =	simm.s32 @!p2 $0x0  }
0x1d: {  	s5 =	simm.s32 @p1 $0x1;
	p0 =	seq.s32 s7, s2  }
0x1e: {  	s7 =	smul.u32 @!p0 $0xF7A, s2;
	p2 =	seq.s32 @!p0 s5, $0x0  }
0x1f: {  	s9 =	smul.u32 $0xF7A, s1;
	s8 =	simm.s32 @!p0 $0x1BF5;
	p2 =	por !p2, p0  }
0x20: {  	[sflag:s8] =	ssyncset.s32 @!p0 $0xFFFFF086;
	s6 =	sadd.s32 @!p0 s3, s7;
	s7 =	simm.s32 @!p0 $0x108  }
0x21: {  	s3 =	sadd.s32 s3, s9;
	s6 =	sadd.s32 @!p0 $0x88, s6;
	s7 =	simm.s32 @p2 $0x1082  }
0x22: {  	[simem:s7], [sflag:s8] =	dma.local @!p0 [hbm:s6], $0xF7A  }
0x23: {  	s9 =	sor.u32 $0xD0000000, s2;
	s6 =	simm.s32 $0x108;
	_ =	swait.ge @!p0 [sflag:s8], $0x0  }
0x24: {  	s3 =	sadd.s32 $0x88, s3;
	s6 =	simm.s32 @!p1 $0x1082;
	[sflag:s4] =	ssyncset.s32 $0xFFFFF086  }
0x25: {  	[simem:s6], [sflag:s4] =	dma.local [hbm:s3], $0xF7A  }
0x26: {  	[smem:$0x3F9E] =	sst s1;
	(tag) =	ssettag s2;
	_ =	strace s9  }
0x27: {  	s1 =	sld [smem:$0x3FAE]  }
0x28: {  	s2 =	sld [smem:$0x3FAF]  }
0x29: {  	s4 =	sld [smem:$0x3FB1]  }
0x2a: {  	p0 =	seq.s32 s5, $0x0;
	s5 =	sld [smem:$0x3FB2]  }
0x2b: {  	s6 =	sld [smem:$0x3FB3]  }
0x2c: {  	s7 =	sld [smem:$0x3FB4]  }
0x2d: {  	s3 =	simm.s32 $0x108;
	s8 =	sld [smem:$0x3FB5]  }
0x2e: {  	s3 =	simm.s32 @!p0 $0x1082;
	s9 =	sld [smem:$0x3FB6]  }
0x2f: {  	lr =	sadd.s32 s0, s3;
	s0 =	sld [smem:$0x3FAD]  }
0x30: {  	s3 =	sld [smem:$0x3FB0]  }
0x31: {  	[smem:$0x3FB9] =	sst s10  }
0x32: {  	s10 =	sld [smem:$0x3FB7];
	_ =	sdelay $0x3  }
0x33: {  	p0 =	seq.s32 s10, $0x1;
	s10 =	sld [smem:$0x3FB9];
	_ =	sdelay $0x3  }
0x34: {  	[smem:$0x3FB9] =	sst s10  }
0x35: {  	s10 =	sld [smem:$0x3FB8];
	_ =	sdelay $0x3  }
0x36: {  	p1 =	seq.s32 s10, $0x1;
	s10 =	sld [smem:$0x3FB9];
	_ =	sdelay $0x3  }
0x37: {  	[smem:$0x3FB9] =	sst s10  }
0x38: {  	s10 =	sld [smem:$0x3FBA]  }
0x39: {  	_ = 	snop;
	(pc) =	sbr.ind lr, $3  }
0x3a: {  	_ = 	snop  }
0x3b: {  	_ = 	snop  }
0x3c: {  	p2 =	seq.s32 s10, $0x1;
	s10 =	sld [smem:$0x3FB9]  }
0x3d: {  	_ =	shalt  }
0x3e: {  	_ =	shalt  }
0x3f: {  	_ =	shalt  }
0x40: {  	_ =	shalt  }
0x41: {  	_ =	shalt  }
0x42: {  	_ =	shalt  }
0x43: {  	_ =	shalt  }
0x44: {  	_ =	shalt  }
0x45: {  	_ =	shalt  }
0x46: {  	_ =	shalt  }
0x47: {  	_ =	shalt  }
0x48: {  	_ =	shalt  }
0x49: {  	_ =	shalt  }
0x4a: {  	_ =	shalt  }
0x4b: {  	_ =	shalt  }
0x4c: {  	_ =	shalt  }
0x4d: {  	_ =	shalt  }
0x4e: {  	_ =	shalt  }
0x4f: {  	_ =	shalt  }
0x50: {  	_ =	shalt  }
0x51: {  	_ =	shalt  }
0x52: {  	_ =	shalt  }
0x53: {  	_ =	shalt  }
0x54: {  	_ =	shalt  }
0x55: {  	_ =	shalt  }
0x56: {  	_ =	shalt  }
0x57: {  	_ =	shalt  }
0x58: {  	_ =	shalt  }
0x59: {  	_ =	shalt  }
0x5a: {  	_ =	shalt  }
0x5b: {  	_ =	shalt  }
0x5c: {  	_ =	shalt  }
0x5d: {  	_ =	shalt  }
0x5e: {  	_ =	shalt  }
0x5f: {  	_ =	shalt  }
0x60: {  	_ =	shalt  }
0x61: {  	_ =	shalt  }
0x62: {  	_ =	shalt  }
0x63: {  	_ =	shalt  }
0x64: {  	_ =	shalt  }
0x65: {  	_ =	shalt  }
0x66: {  	_ =	shalt  }
0x67: {  	_ =	shalt  }
0x68: {  	_ =	shalt  }
0x69: {  	_ =	shalt  }
0x6a: {  	_ =	shalt  }
0x6b: {  	_ =	shalt  }
0x6c: {  	_ =	shalt  }
0x6d: {  	_ =	shalt  }
0x6e: {  	_ =	shalt  }
0x6f: {  	_ =	shalt  }
0x70: {  	_ =	shalt  }
0x71: {  	_ =	shalt  }
0x72: {  	_ =	shalt  }
0x73: {  	_ =	shalt  }
0x74: {  	_ =	shalt  }
0x75: {  	_ =	shalt  }
0x76: {  	_ =	shalt  }
0x77: {  	_ =	shalt  }
0x78: {  	_ =	shalt  }
0x79: {  	_ =	shalt  }
0x7a: {  	_ =	shalt  }
0x7b: {  	_ =	shalt  }
0x7c: {  	_ =	shalt  }
0x7d: {  	_ =	shalt  }
0x7e: {  	_ =	shalt  }
0x7f: {  	_ =	shalt  }
0x80: {  	_ =	shalt  }
0x81: {  	_ =	shalt  }
0x82: {  	_ =	shalt  }
0x83: {  	_ =	shalt  }
0x84: {  	_ =	shalt  }
0x85: {  	_ =	shalt  }
0x86: {  	_ =	shalt  }
0x87: {  	_ =	shalt  }
.Lfunc_end0:
.L_simem_size_0:
called_computation_lowered:
.L_overlay_start_0:
0x88: {  	s2 =	sld [smem:$0x3FD9]  }
0x89: {  	s3 =	sld [smem:$0x3FFE];
	_ =	sdelay $0x1  }
0x8a: {  	s1 =	srdreg.scid  }
0x8b: {  	s0 =	sand.u32 $0x1, s1  }
0x8c: {  	s16 =	sshll.u32 s0, $0xA;
	s2 =	sadd.s32 s3, s2  }
0x8d: {  	s2 =	sadd.s32 s2, s16  }
0x8e: {  	[smem:$0x3FC5] =	sst s2  }
0x8f: {  	_ = 	snop  }
0x90: {  	(tm) =	ssettm $0x1  }
0x91: {  	s17 =	sld [smem:$0x3FFB];
	_ =	sdelay $0x3  }
0x92: {  	_ =	strace s17  }
0x93: {  	s2 =	sld [smem:$0x3FFC];
	_ =	sdelay $0x3  }
0x94: {  	_ =	strace s2  }
0x95: {  	s2 =	sld [smem:$0x3FFD];
	_ =	sdelay $0x3  }
0x96: {  	_ =	strace s2  }
0x97: {  	_ =	strace $0x8FFFFFFF  }
0x98: {  	s18 =	sld [smem:$0x3FDB];
	_ =	sdelay $0x1  }
0x99: {  	s19 =	simm.s32 $_scs_section_size  }
0x9a: {  	s4 =	simm.s32 $_size__tile_overlayer_lowered;
	s5 =	simm.s32 $_tile_overlayer_lowered  }
0x9b: {  	s22 =	simm.s32 $0x1BFF;
	s21 =	sshll.u32 s5, $0x1;
	s2 =	sadd.s32 s19, s18  }
0x9c: {  	s6 =	simm.s32 $0x0;
	s20 =	sshll.u32 s4, $0x1;
	s4 =	sadd.s32 s21, s2  }
0x9d: {  	[timem:s6], [sflag:s22] =	dma.local [hbm:s4], s20  }
0x9e: {  	_ =	swait.ge [sflag:s22], s20  }
0x9f: {  	s3 =	ssub.s32 $0x0, s20;
	[sflag:s22] =	ssyncset.done $0x0  }
0xa0: {  	[sflag:s22] =	ssyncadd.s32 s3;
	_ =	sdelay $0x1  }
0xa1: {  	s23 =	simm.s32 $0x1B8B  }
0xa2: {  	_ =	swait.ge [sflag:s23], $0x1  }
0xa3: {  	[sflag:s23] =	ssyncset.done $0x0  }
0xa4: {  	s25 =	simm.s32 $0x1B8E;
	s24 =	sld [smem:$0x3FFE];
	[sflag:s23] =	ssyncadd.s32 $0xFFFFFFFF  }
0xa5: {  	s26 =	simm.s32 $execute0_lowered;
	[smem:$0x3FD2] =	sst s25  }
0xa6: {  	s4 =	sshll.u32 s26, $0x1;
	_ =	strace $0x80000046;
	[dreg:$0x1] =	wrdreg $0xFFFFFFFF  }
0xa7: {  	s28 =	simm.s32 $_size_execute0_lowered;
	s2 =	sadd.s32 s2, s4;
	[dreg:$0x0] =	wrdreg $0x0  }
0xa8: {  	s4 =	sshll.u32 s28, $0x1;
	[dreg:$0x2] =	wrdreg s2  }
0xa9: {  	[dreg:$0x3] =	wrdreg s4  }
0xaa: {  	[dreg:$0x4] =	wrdreg $0xC0  }
0xab: {  	_ =	task [dreg:s6], $0x5FFFF  }
0xac: {  	[dreg:$0x1] =	wrdreg $0xFFFFFFFF  }
0xad: {  	[dreg:$0x0] =	wrdreg $0x60  }
0xae: {  	[dreg:$0x2] =	wrdreg s24  }
0xaf: {  	[dreg:$0x3] =	wrdreg $0x9  }
0xb0: {  	_ =	task.clear_ibuf [dreg:s6], $0x4FFFF;
	_ =	strace $0x90000046  }
0xb1: {  	s29 =	simm.s32 $0x9;
	_ =	strace $0x80000048  }
0xb2: {  	_ =	swait.ge [sflag:s29], $0x1  }
0xb3: {  	[sflag:s29] =	ssyncadd.s32 $0xFFFFFFFF  }
0xb4: {  	_ =	strace $0x90000048  }
0xb5: {  	_ =	sfence  }
0xb6: {  	s30 =	sld [smem:$0x0];
	_ =	sdelay $0x2  }
0xb7: {  	s31 =	sshll.u32 s1, $0xD;
	s1 =	sshrl.u32 s1, $0x2  }
0xb8: {  	s3 =	sand.u32 $0x4000, s31;
	s1 =	sadd.s32 s1, s30  }
0xb9: {  	s0 =	sor.u32 s3, s0;
	s1 =	sshll.u32 s1, $0x11  }
0xba: {  	s0 =	sor.u32 s1, s0  }
0xbb: {  	s0 =	sadd.s32 $0x8F2B, s0  }
0xbc: {  	[sflag:s0] =	ssyncadd.remote.s32 $0x1  }
0xbd: {  	_ =	sfence.sel $0xFFFF  }
0xbe: {  	[dreg:$0x0] =	wrdreg $0xFFFFFFFF;
	(pc) =	sbr.abs _section_cstart, $3  }
0xbf: {  	[dreg:$0x1] =	wrdreg $0xFFFFFFFF  }
0xc0: {  	_ =	task.clear_ibuf [dreg:s6], $0x2FFFF;
	_ =	strace $0x9FFFFFFF  }
0xc1: {  	(tm) =	ssettm $0x7FFFFFFF  }
tec
execute0_lowered:
.L_overlay_start_1:
0x0: {  	(tag) =	ssettag $0x1  }
0x1: {  	s1 =	srdreg.scid  }
0x2: {  	s0 =	stileid.u32;
	s4 =	rddreg [dreg:$0x0];
	s2 =	simm.s32 $0x0  }
0x3: {  	s8 =	simm.s32 $0x2400;
	s9 =	simm.s32 $0x4800;
	s10 =	simm.s32 $0x80  }
0x4: {  	s11 =	simm.s32 $0x400;
	s3 =	sand.u32 $0x1, s1;
	s1 =	rddreg [dreg:$0x1]  }
0x5: {  	s12 =	simm.s32 $0x0;
	s30 =	sshll.u32 s0, $0x1;
	[smem:$0x7FF] =	sst s2  }
0x6: {  	s7 =	sshll.u32 s0, $0x6;
	s5 =	sor.u32 s3, s30;
	_ =	strace $0x80000047  }
0x7: {  	s3 =	ssub.s32 $0x2, s3;
	s6 =	smul.u32 $0x480, s5;
	s5 =	sshll.u32 s5, $0x4  }
0x8: {  	s7 =	sand.u32 $0x300, s7;
	s31 =	sshrl.u32 s3, $0x1;
	s5 =	sand.u32 $0x70, s5  }
0x9: {  	s6 =	sadd.s32 s6, s4;
	s4 =	sadd.s32 s7, s4;
	s7 =	ssub.s32 s3, s31  }
0xa: {  	s3 =	sadd.s32 $0x600, s6;
	s5 =	sadd.s32 s5, s4;
	s4 =	sadd.s32 $0x9600, s6  }
0xb: {  	v0 =	vimm.f32 $0.0e+00;
	v1 =	vimm.f32 $1.000000000e+00;
	s6 =	smax.u32 s7, $0x1;
	s7 =	simm.s32 $0x1;
	s5 =	sadd.s32 $0x12600, s5  }
.LBB2_1:
0xc: {  	[tilespmem:s2], [sflag:$0x1] =	stream.linear.gather [hbm4b:s3+s2], $0x2400, $0x38;
	[tilespmem:$0x4900] =	vst v63  }
0xd: {  	_ =	swait.ge [sflag:s7], $0x2400  }
0xe: {  	[sflag:s7] =	ssyncset.done $0x0  }
0xf: {  	[sflag:s7] =	ssyncadd.s32 $0xFFFFDC00  }
0x10: {  	[tilespmem:s8], [sflag:$0x1] =	stream.linear.gather [hbm4b:s4+s2], $0x2400, $0x38;
	[tilespmem:$0x4900] =	vst v63  }
0x11: {  	_ =	swait.ge [sflag:s7], $0x2400  }
0x12: {  	[sflag:s7] =	ssyncset.done $0x0  }
0x13: {  	[sflag:s7] =	ssyncadd.s32 $0xFFFFDC00  }
0x14: {  	[tilespmem:$0x4800] =	vst v0  }
0x15: {  	[tilespmem:$0x4810] =	vst v0  }
0x16: {  	[tilespmem:$0x4820] =	vst v0  }
0x17: {  	[tilespmem:$0x4830] =	vst v0  }
0x18: {  	[tilespmem:$0x4840] =	vst v0  }
0x19: {  	[tilespmem:$0x4850] =	vst v0  }
0x1a: {  	[tilespmem:$0x4860] =	vst v0  }
0x1b: {  	[tilespmem:$0x4870] =	vst v0  }
0x1c: {  	[tilespmem:$0x4880] =	vst v0  }
0x1d: {  	s14 =	simm.s32 $0x0;
	s13 =	simm.s32 $0x40;
	[tilespmem:$0x4890] =	vst v0  }
.LBB2_2:
0x1e: {  	p0 =	sne.s32 s13, $0x8FC0;
	v2 =	vld [tilespmem:s14+$0x0]  }
0x1f: {  	v3 =	vld [tilespmem:s14+$0x2400];
	_ =	sdelay $0x3  }
0x20: {  	v4 =	vshll.u32 v2, $0x5  }
0x21: {  	vm0 =	veq.s32 v2, $0xFF;
	v2 =	vadd.s32 v3, v4  }
0x22: {  	v2 =	vsel vm0, $0x0, v2  }
.Ltmp0:
0x23: {  	(pc) =	sbr.rel @p0 .LBB2_2-.Ltmp0, $2  }
0x24: {  	_ =	sdelay $0x2  }
0x25: {  	s14 =	sshra.s32 s13, $0x2;
	s13 =	sadd.s32 $0x40, s13;
	[tilespmem:v2+s9+$0x0] =	vst.idx.add.f32.msk $0xffff, v1  }
0x26: {  	v2 =	vld [tilespmem:s14+$0x0]  }
0x27: {  	v3 =	vld [tilespmem:s14+$0x2400];
	_ =	sdelay $0x3  }
0x28: {  	v4 =	vshll.u32 v2, $0x5  }
0x29: {  	vm0 =	veq.s32 v2, $0xFF;
	v2 =	vadd.s32 v3, v4  }
0x2a: {  	v2 =	vsel vm0, $0x0, v2;
	_ =	sdelay $0x2  }
0x2b: {  	s12 =	sadd.s32 $0x1, s12  }
0x2c: {  	p0 =	sne.s32 s12, s6  }
.Ltmp1:
0x2d: {  	[tilespmem:v2+s9+$0x0] =	vst.idx.add.f32.msk $0xffff, v1;
	(pc) =	sbr.rel @p0 .LBB2_1-.Ltmp1, $4  }
0x2e: {  	[hbm4b:s5+s10] =	stream.strided.scatter [tilespmem:s9], [sflag:$0x1], $0x100, s11, s10, $0x38;
	[tilespmem:$0x4900] =	vst v63  }
0x2f: {  	_ =	swait.ge [sflag:s7], $0x100  }
0x30: {  	[sflag:s7] =	ssyncset.done $0x0  }
0x31: {  	[sflag:s7] =	ssyncadd.s32 $0xFFFFFF00  }
0x32: {  	_ =	sfence.sel $0x180000  }
0x33: {  	[bflag:$0x0] =	sbarrier.arrive $0xFFFF  }
0x34: {  	p0 =	sne.s32 s0, $0x0;
	_ =	strace $0x90000047  }
0x35: {  	s0 =	sadd.s32 @!p0 $0x100000, s1;
	[bflag:$0x2] =	sbarrier.arrive $0xFFFF  }
0x36: {  	[sflag:s0] =	ssyncadd.tile.s32 @!p0 $0x1;
	_ =	shalt  }
.Lfunc_end2:
_tile_overlayer_lowered:
.L_overlay_start_2:
0x37: {  	(tag) =	ssettag $0x2  }
0x38: {  	s0 =	rddreg [dreg:$0x0];
	s2 =	stileid.u32  }
0x39: {  	s1 =	rddreg [dreg:$0x1];
	p0 =	sne.s32 s2, $0x0  }
0x3a: {  	s3 =	rddreg [dreg:$0x2];
	[bflag:$0x3] =	sbarrier.arrive $0xFFFF;
	s2 =	simm.s32 @!p0 $0x1C01  }
0x3b: {  	[timem:s3], [sflag:s2] =	dma.local @!p0 [hbm:s0], s1  }
0x3c: {  	s0 =	simm.s32 @!p0 $0x1  }
0x3d: {  	_ =	swait.ge @!p0 [sflag:s0], s1  }
0x3e: {  	s1 =	ssub.s32 @!p0 $0x0, s1;
	[sflag:s0] =	ssyncset.done @!p0 $0x0  }
0x3f: {  	[sflag:s0] =	ssyncadd.s32 @!p0 s1  }
0x40: {  	[bflag:$0x3] =	sbarrier.arrive $0xFFFF  }
0x41: {  	_ =	shalt  }

</sc_bundles>
